<compile_context>
chip_gen: v7x
topology: tpu7x:2x2x1
jax: 0.10.2.dev20260603
libtpu: 0.0.44.dev20260713+nightly
codegen_flags: <defaults>
</compile_context>

<pallas_src>
import functools

import jax
import jax.numpy as jnp
import numpy as np
from jax import lax
from jax.experimental import pallas as pl
from jax.experimental.pallas import tpu as pltpu
from jax.experimental.pallas import tpu_sc as plsc

N = 10000
E = 320000
D = 128
DH = 64
NC = 2
NS = 16
BATCH = 64
NB_S = 320
EP = NS * NB_S * BATCH
NP = 10240
RPT = NP // NS
XRT = 624
CW = 8


def _sc_agg_body(x2_hbm, src_hbm, dst_hbm, acc_out,
                 src_v, dst_v, buf0, buf1, acc_sh, x_sp, sem0, sem1):
    c = lax.axis_index("c")
    s = lax.axis_index("s")
    row0 = s * RPT

    @pl.loop(0, BATCH)
    def _(i):
        @pl.loop(0, DH, step=16)
        def _(kk):
            buf0[i, pl.ds(kk, 16)] = jnp.zeros((16,), jnp.float32)

    @pl.loop(0, RPT, step=BATCH)
    def _(r):
        pltpu.sync_copy(buf0, acc_sh.at[pl.ds(row0 + r, BATCH)])

    pltpu.sync_copy(x2_hbm.at[pl.ds(s * XRT, XRT), pl.ds(c * DH, DH)],
                    x_sp.at[pl.ds(s * XRT, XRT)])

    @pl.when(s == NS - 1)
    def _():
        pltpu.sync_copy(
            x2_hbm.at[pl.ds(XRT * NS, N - XRT * NS), pl.ds(c * DH, DH)],
            x_sp.at[pl.ds(XRT * NS, N - XRT * NS)])

    pltpu.sync_copy(src_hbm.at[pl.ds(s * NB_S, NB_S)], src_v)
    pltpu.sync_copy(dst_hbm.at[pl.ds(s * NB_S, NB_S)], dst_v)

    plsc.subcore_barrier()

    bufs = (buf0, buf1)
    sems = (sem0, sem1)

    def gat(i, b):
        pltpu.async_copy(x_sp.at[src_v.at[i]], bufs[b], sems[b])

    def gat_wait(b):
        pltpu.make_async_copy(x_sp.at[src_v.at[0]], bufs[b], sems[b]).wait()

    def scat(i, b):
        pltpu.sync_copy(bufs[b], acc_sh.at[dst_v.at[i]], add=True)

    gat(0, 0)

    @pl.loop(0, NB_S - 2, step=2)
    def _(j):
        gat(j + 1, 1)
        gat_wait(0)
        scat(j, 0)
        gat(j + 2, 0)
        gat_wait(1)
        scat(j + 1, 1)

    gat(NB_S - 1, 1)
    gat_wait(0)
    scat(NB_S - 2, 0)
    gat_wait(1)
    scat(NB_S - 1, 1)

    plsc.subcore_barrier()

    pltpu.sync_copy(acc_sh.at[pl.ds(row0, RPT)], acc_out.at[c, pl.ds(row0, RPT)])


def _make_sc_agg():
    mesh = plsc.VectorSubcoreMesh(core_axis_name="c", subcore_axis_name="s")
    scratch = [
        pltpu.VMEM((NB_S, BATCH), jnp.int32),
        pltpu.VMEM((NB_S, BATCH), jnp.int32),
        pltpu.VMEM((BATCH, DH), jnp.float32),
        pltpu.VMEM((BATCH, DH), jnp.float32),
        pltpu.VMEM_SHARED((NP, DH), jnp.float32),
        pltpu.VMEM_SHARED((N, DH), jnp.float32),
        pltpu.SemaphoreType.DMA,
        pltpu.SemaphoreType.DMA,
    ]
    return pl.kernel(
        _sc_agg_body,
        out_type=[jax.ShapeDtypeStruct((NC, NP, DH), jnp.float32)],
        mesh=mesh,
        scratch_types=scratch,
        compiler_params=pltpu.CompilerParams(use_tc_tiling_on_sc=False),
    )


def _sc_cnt_body(dst_hbm, cnt_out, dst_v, ones_v, cnt_sh, sem):
    c = lax.axis_index("c")
    s = lax.axis_index("s")
    row0 = s * RPT

    @pl.loop(0, BATCH)
    def _(i):
        ones_v[i, :] = jnp.zeros((16,), jnp.float32)

    @pl.loop(0, RPT, step=BATCH)
    def _(r):
        pltpu.sync_copy(ones_v, cnt_sh.at[pl.ds(row0 + r, BATCH)])

    @pl.loop(0, BATCH)
    def _(i):
        ones_v[i, :] = jnp.ones((16,), jnp.float32)

    pltpu.sync_copy(dst_hbm.at[pl.ds(s * NB_S, NB_S)], dst_v)

    plsc.subcore_barrier()

    def cnt_issue(j):
        pltpu.async_copy(ones_v, cnt_sh.at[dst_v.at[j]], sem, add=True)

    def cnt_wait():
        pltpu.make_async_copy(ones_v, cnt_sh.at[dst_v.at[0]], sem).wait()

    @pl.loop(0, NB_S, step=2)
    def _(j):
        cnt_issue(j + c)

        @pl.when(j >= 2 * CW)
        def _():
            cnt_wait()

    @pl.loop(0, CW)
    def _(j):
        cnt_wait()

    plsc.subcore_barrier()

    pltpu.sync_copy(cnt_sh.at[pl.ds(row0, RPT)], cnt_out.at[c, pl.ds(row0, RPT)])


def _make_sc_cnt():
    mesh = plsc.VectorSubcoreMesh(core_axis_name="c", subcore_axis_name="s")
    scratch = [
        pltpu.VMEM((NB_S, BATCH), jnp.int32),
        pltpu.VMEM((BATCH, 16), jnp.float32),
        pltpu.VMEM_SHARED((NP, 16), jnp.float32),
        pltpu.SemaphoreType.DMA,
    ]
    return pl.kernel(
        _sc_cnt_body,
        out_type=[jax.ShapeDtypeStruct((NC, NP, 16), jnp.float32)],
        mesh=mesh,
        scratch_types=scratch,
        compiler_params=pltpu.CompilerParams(use_tc_tiling_on_sc=False),
    )


def _tc_pre_body(x_ref, wr_ref, b_ref, o_ref):
    o_ref[...] = (jnp.dot(x_ref[...], wr_ref[...],
                          preferred_element_type=jnp.float32)
                  + b_ref[...])


_tc_pre1 = pl.pallas_call(
    _tc_pre_body, out_shape=jax.ShapeDtypeStruct((N, D), jnp.float32))
_tc_pre2 = pl.pallas_call(
    _tc_pre_body, out_shape=jax.ShapeDtypeStruct((N, D), jnp.float32))


def _tc_post_body(relu, acc_ref, cnt_ref, xwr_ref, wl_ref, o_ref):
    agg = jnp.concatenate([acc_ref[0, :N, :], acc_ref[1, :N, :]], axis=1)
    cnt = cnt_ref[0, :N, 0:1] + cnt_ref[1, :N, 0:1]
    mean = agg / jnp.maximum(cnt, 1.0)
    r = (jnp.dot(mean, wl_ref[...], preferred_element_type=jnp.float32)
         + xwr_ref[...])
    o_ref[...] = jnp.maximum(r, 0.0) if relu else r


def _make_tc_post(relu):
    return pl.pallas_call(
        functools.partial(_tc_post_body, relu),
        out_shape=jax.ShapeDtypeStruct((N, D), jnp.float32),
    )


_sc_agg = _make_sc_agg()
_sc_cnt = _make_sc_cnt()
_tc_post1 = _make_tc_post(True)
_tc_post2 = _make_tc_post(False)


def kernel(x, edge_index, W1_l, W1_r, b1, W2_l, W2_r, b2):
    src = edge_index[0].astype(jnp.int32)
    dst = edge_index[1].astype(jnp.int32)
    pad = EP - E
    src_p = jnp.concatenate([src, jnp.zeros((pad,), jnp.int32)])
    dst_p = jnp.concatenate(
        [dst, jnp.asarray(N + np.arange(pad, dtype=np.int32) % (NP - N))])
    src_p = src_p.reshape(EP // BATCH, BATCH)
    dst_p = dst_p.reshape(EP // BATCH, BATCH)

    (cnt1,) = _sc_cnt(dst_p)
    (acc1,) = _sc_agg(x, src_p, dst_p)
    xw1r = _tc_pre1(x, W1_r, b1.reshape(1, D))
    h = _tc_post1(acc1, cnt1, xw1r, W1_l)
    (acc2,) = _sc_agg(h, src_p, dst_p)
    hw2r = _tc_pre2(h, W2_r, b2.reshape(1, D))
    out = _tc_post2(acc2, cnt1, hw2r, W2_l)
    return out

# --- scband reference (transcript-rebuilt; emitter-appended) ---
"""Pipeline reference for scband-graph-sage-67456756351010 (READ-ONLY COPY).

The authoritative reference and input builder live on the scoring server;
editing this copy changes nothing except your own understanding.
"""

import jax, jax.numpy as jnp
import numpy as np

N_NODES = 10000
N_EDGES = 320000
D = 128


def sage_conv(x, edge_index, W_l, W_r, b):
    # PyG SAGEConv (mean aggregation): out = lin_l(mean_{j->i} x_j) + lin_r(x_i)
    src = edge_index[0]
    dst = edge_index[1]
    msgs = jnp.take(x, src, axis=0)
    agg = jax.ops.segment_sum(msgs, dst, num_segments=N_NODES)
    cnt = jax.ops.segment_sum(jnp.ones((msgs.shape[0],), dtype=x.dtype), dst, num_segments=N_NODES)
    mean = agg / jnp.maximum(cnt, 1.0)[:, None]
    return mean @ W_l + x @ W_r + b


def setup_inputs(seed: int = 0) -> dict:
    key = jax.random.key(seed)
    ks = jax.random.split(key, 8)
    x = jax.random.normal(ks[0], (N_NODES, D), dtype=jnp.float32)
    edge_index = jax.random.randint(ks[1], (2, N_EDGES), 0, N_NODES, dtype=jnp.int64)
    scale = 1.0 / np.sqrt(D)
    W1_l = jax.random.uniform(ks[2], (D, D), dtype=jnp.float32, minval=-scale, maxval=scale)
    W1_r = jax.random.uniform(ks[3], (D, D), dtype=jnp.float32, minval=-scale, maxval=scale)
    b1 = jnp.zeros((D,), dtype=jnp.float32)
    W2_l = jax.random.uniform(ks[4], (D, D), dtype=jnp.float32, minval=-scale, maxval=scale)
    W2_r = jax.random.uniform(ks[5], (D, D), dtype=jnp.float32, minval=-scale, maxval=scale)
    b2 = jnp.zeros((D,), dtype=jnp.float32)
    return {"x": x, "edge_index": edge_index, "W1_l": W1_l, "W1_r": W1_r, "b1": b1, "W2_l": W2_l, "W2_r": W2_r, "b2": b2}


def reference(x, edge_index, W1_l, W1_r, b1, W2_l, W2_r, b2):
    h = sage_conv(x, edge_index, W1_l, W1_r, b1)
    h = jax.nn.relu(h)
    out = sage_conv(h, edge_index, W2_l, W2_r, b2)
    return out

if __name__ == "__main__":
    import jax
    _d = setup_inputs()
    print(jax.jit(kernel)(*tuple(_d.values())))

</pallas_src>

<mosaic_0001>
#map = affine_map<(d0, d1) -> (0, 0)>
#map1 = affine_map<(d0, d1) -> (0, 0, 0)>
module attributes {stable_mosaic.version = 14 : i64} {
  func.func @_sc_agg_body(%arg0: i32, %arg1: i32, %arg2: memref<10000x128xf32, #tpu.memory_space<hbm>>, %arg3: memref<5120x64xi32, #tpu.memory_space<hbm>>, %arg4: memref<5120x64xi32, #tpu.memory_space<hbm>>, %arg5: memref<2x10240x64xf32, #tpu.memory_space<hbm>>, %arg6: memref<320x64xi32, #tpu.memory_space<vmem>>, %arg7: memref<320x64xi32, #tpu.memory_space<vmem>>, %arg8: memref<64x64xf32, #tpu.memory_space<vmem>>, %arg9: memref<64x64xf32, #tpu.memory_space<vmem>>, %arg10: memref<10240x64xf32, #tpu.memory_space<vmem_shared>>, %arg11: memref<10000x64xf32, #tpu.memory_space<vmem_shared>>, %arg12: memref<!tpu.dma_semaphore, #tpu.memory_space<semaphore_mem>>, %arg13: memref<!tpu.dma_semaphore, #tpu.memory_space<semaphore_mem>>) attributes {dimension_semantics = [#tpu.dimension_semantics<core_parallel>, #tpu.dimension_semantics<subcore_parallel>], iteration_bounds = array<i64: 2, 16>, scalar_prefetch = 0 : i64, scratch_operands = 8 : i64, tpu.core_type = #tpu.core_type<sc_vector_subcore>, window_params = [{transform_indices = #map}, {transform_indices = #map}, {transform_indices = #map}, {transform_indices = #map1}]} {
    %mul3A = arith.constant 640 : i32
    %mul3A_0 = arith.muli %arg1, %mul3A : i32
    %scan3A = arith.constant 0 : i32
    %scan3A_1 = arith.constant 64 : i32
    %scan3A_2 = arith.addi %scan3A, %scan3A_1 : i32
    %scan3A_3 = arith.constant 1 : i32
    scf.for %scan3A_55 = %scan3A to %scan3A_2 step %scan3A_3  : i32 {
      %mul3A_56 = arith.constant 1 : i32
      %mul3A_57 = arith.muli %scan3A_55, %mul3A_56 : i32
      %add3A = arith.constant 0 : i32
      %add3A_58 = arith.addi %add3A, %mul3A_57 : i32
      %scan3A_59 = arith.constant 0 : i32
      %scan3A_60 = arith.constant 4 : i32
      %scan3A_61 = arith.addi %scan3A_59, %scan3A_60 : i32
      %scan3A_62 = arith.constant 1 : i32
      scf.for %scan3A_64 = %scan3A_59 to %scan3A_61 step %scan3A_62  : i32 {
        %mul3A_65 = arith.constant 16 : i32
        %mul3A_66 = arith.muli %scan3A_64, %mul3A_65 : i32
        %add3A_67 = arith.constant 0 : i32
        %add3A_68 = arith.addi %add3A_67, %mul3A_66 : i32
        %broadcast_in_dim3A = arith.constant 0.000000e+00 : f32
        %broadcast_in_dim3A_69 = vector.broadcast %broadcast_in_dim3A : f32 to vector<16xf32>
        %swap3A = arith.index_cast %add3A_58 : i32 to index
        %swap3A_70 = arith.index_cast %add3A_68 : i32 to index
        %swap3A_71 = tpu.vector_load %arg8[%swap3A, %swap3A_70] {strides = array<i32>} : memref<64x64xf32, #tpu.memory_space<vmem>>, vector<1x16xf32>,
        %swap3A_72 = vector.shape_cast %swap3A_71 : vector<1x16xf32> to vector<16xf32>
        %swap3A_73 = vector.shape_cast %broadcast_in_dim3A_69 : vector<16xf32> to vector<1x16xf32>
        tpu.vector_store %arg8[%swap3A, %swap3A_70], %swap3A_73 {strides = array<i32>} : memref<64x64xf32, #tpu.memory_space<vmem>>, vector<1x16xf32>,
      }
      %scan3A_63 = arith.constant 4 : i32
    }
    %scan3A_4 = arith.constant 64 : i32
    %scan3A_5 = arith.constant 0 : i32
    %scan3A_6 = arith.constant 10 : i32
    %scan3A_7 = arith.addi %scan3A_5, %scan3A_6 : i32
    %scan3A_8 = arith.constant 1 : i32
    scf.for %scan3A_55 = %scan3A_5 to %scan3A_7 step %scan3A_8  : i32 {
      %mul3A_56 = arith.constant 64 : i32
      %mul3A_57 = arith.muli %scan3A_55, %mul3A_56 : i32
      %add3A = arith.constant 0 : i32
      %add3A_58 = arith.addi %add3A, %mul3A_57 : i32
      %add3A_59 = arith.addi %mul3A_0, %add3A_58 : i32
      "tpu.region"() ({
        %run_scoped3A_60 = tpu.sem_alloc : memref<!tpu.dma_semaphore, #tpu.memory_space<semaphore_mem>>
        %dma_start3A_61 = arith.constant 0 : i32
        %dma_start3A_62 = tpu.memref_slice %arg10[%add3A_59, %dma_start3A_61] : memref<10240x64xf32, #tpu.memory_space<vmem_shared>> -> memref<64x64xf32, #tpu.memory_space<vmem_shared>>
        %dma_start3A_63 = arith.constant 0 : i32
        %dma_start3A_64 = tpu.memref_slice %arg10[%add3A_59, %dma_start3A_63] : memref<10240x64xf32, #tpu.memory_space<vmem_shared>> -> memref<64x64xf32, #tpu.memory_space<vmem_shared>>
        tpu.enqueue_dma source(%arg8 : memref<64x64xf32, #tpu.memory_space<vmem>>) target(%dma_start3A_64 : memref<64x64xf32, #tpu.memory_space<vmem_shared>>) target_semaphore(%run_scoped3A_60 : memref<!tpu.dma_semaphore, #tpu.memory_space<semaphore_mem>>)
        %dma_wait3A_65 = arith.constant 0 : i32
        %dma_wait3A_66 = tpu.memref_slice %arg10[%add3A_59, %dma_wait3A_65] : memref<10240x64xf32, #tpu.memory_space<vmem_shared>> -> memref<64x64xf32, #tpu.memory_space<vmem_shared>>
        %dma_wait3A_67 = arith.constant 0 : i32
        %dma_wait3A_68 = tpu.memref_slice %arg10[%add3A_59, %dma_wait3A_67] : memref<10240x64xf32, #tpu.memory_space<vmem_shared>> -> memref<64x64xf32, #tpu.memory_space<vmem_shared>>
        tpu.wait_dma2 semaphore(%run_scoped3A_60 : memref<!tpu.dma_semaphore, #tpu.memory_space<semaphore_mem>>) src(%arg8 : memref<64x64xf32, #tpu.memory_space<vmem>>) dst(%dma_wait3A_68 : memref<64x64xf32, #tpu.memory_space<vmem_shared>>)
        tpu.yield
      }) : () -> ()
    }
    %scan3A_9 = arith.constant 10 : i32
    %mul3A_10 = arith.constant 624 : i32
    %mul3A_11 = arith.muli %arg1, %mul3A_10 : i32
    %mul3A_12 = arith.constant 64 : i32
    %mul3A_13 = arith.muli %arg0, %mul3A_12 : i32
    %mul3A_14 = arith.constant 624 : i32
    %mul3A_15 = arith.muli %arg1, %mul3A_14 : i32
    "tpu.region"() ({
      %run_scoped3A_55 = tpu.sem_alloc : memref<!tpu.dma_semaphore, #tpu.memory_space<semaphore_mem>>
      %dma_start3A_56 = arith.constant 0 : i32
      %dma_start3A_57 = tpu.memref_slice %arg11[%mul3A_15, %dma_start3A_56] : memref<10000x64xf32, #tpu.memory_space<vmem_shared>> -> memref<624x64xf32, #tpu.memory_space<vmem_shared>>
      %dma_start3A_58 = tpu.memref_slice %arg2[%mul3A_11, %mul3A_13] : memref<10000x128xf32, #tpu.memory_space<hbm>> -> memref<624x64xf32, #tpu.memory_space<hbm>>
      tpu.enqueue_dma source(%dma_start3A_58 : memref<624x64xf32, #tpu.memory_space<hbm>>) target(%dma_start3A_57 : memref<624x64xf32, #tpu.memory_space<vmem_shared>>) target_semaphore(%run_scoped3A_55 : memref<!tpu.dma_semaphore, #tpu.memory_space<semaphore_mem>>)
      %dma_wait3A_59 = arith.constant 0 : i32
      %dma_wait3A_60 = tpu.memref_slice %arg11[%mul3A_15, %dma_wait3A_59] : memref<10000x64xf32, #tpu.memory_space<vmem_shared>> -> memref<624x64xf32, #tpu.memory_space<vmem_shared>>
      %dma_wait3A_61 = tpu.memref_slice %arg2[%mul3A_11, %mul3A_13] : memref<10000x128xf32, #tpu.memory_space<hbm>> -> memref<624x64xf32, #tpu.memory_space<hbm>>
      tpu.wait_dma2 semaphore(%run_scoped3A_55 : memref<!tpu.dma_semaphore, #tpu.memory_space<semaphore_mem>>) src(%dma_wait3A_61 : memref<624x64xf32, #tpu.memory_space<hbm>>) dst(%dma_wait3A_60 : memref<624x64xf32, #tpu.memory_space<vmem_shared>>)
      tpu.yield
    }) : () -> ()
    %eq3A = arith.constant 15 : i32
    %eq3A_16 = arith.cmpi eq, %arg1, %eq3A : i32
    %convert_element_type3A = arith.extui %eq3A_16 : i1 to i32
    %cond3A = arith.constant 0 : i32
    %cond3A_17 = arith.cmpi ne, %convert_element_type3A, %cond3A : i32
    scf.if %cond3A_17 {
      %mul3A_55 = arith.constant 64 : i32
      %mul3A_56 = arith.muli %arg0, %mul3A_55 : i32
      "tpu.region"() ({
        %run_scoped3A_57 = tpu.sem_alloc : memref<!tpu.dma_semaphore, #tpu.memory_space<semaphore_mem>>
        %dma_start3A_58 = arith.constant 9984 : i32
        %dma_start3A_59 = arith.constant 0 : i32
        %dma_start3A_60 = tpu.memref_slice %arg11[%dma_start3A_58, %dma_start3A_59] : memref<10000x64xf32, #tpu.memory_space<vmem_shared>> -> memref<16x64xf32, #tpu.memory_space<vmem_shared>>
        %dma_start3A_61 = arith.constant 9984 : i32
        %dma_start3A_62 = tpu.memref_slice %arg2[%dma_start3A_61, %mul3A_56] : memref<10000x128xf32, #tpu.memory_space<hbm>> -> memref<16x64xf32, #tpu.memory_space<hbm>>
        tpu.enqueue_dma source(%dma_start3A_62 : memref<16x64xf32, #tpu.memory_space<hbm>>) target(%dma_start3A_60 : memref<16x64xf32, #tpu.memory_space<vmem_shared>>) target_semaphore(%run_scoped3A_57 : memref<!tpu.dma_semaphore, #tpu.memory_space<semaphore_mem>>)
        %dma_wait3A_63 = arith.constant 9984 : i32
        %dma_wait3A_64 = arith.constant 0 : i32
        %dma_wait3A_65 = tpu.memref_slice %arg11[%dma_wait3A_63, %dma_wait3A_64] : memref<10000x64xf32, #tpu.memory_space<vmem_shared>> -> memref<16x64xf32, #tpu.memory_space<vmem_shared>>
        %dma_wait3A_66 = arith.constant 9984 : i32
        %dma_wait3A_67 = tpu.memref_slice %arg2[%dma_wait3A_66, %mul3A_56] : memref<10000x128xf32, #tpu.memory_space<hbm>> -> memref<16x64xf32, #tpu.memory_space<hbm>>
        tpu.wait_dma2 semaphore(%run_scoped3A_57 : memref<!tpu.dma_semaphore, #tpu.memory_space<semaphore_mem>>) src(%dma_wait3A_67 : memref<16x64xf32, #tpu.memory_space<hbm>>) dst(%dma_wait3A_65 : memref<16x64xf32, #tpu.memory_space<vmem_shared>>)
        tpu.yield
      }) : () -> ()
    } else {
    }
    %mul3A_18 = arith.constant 320 : i32
    %mul3A_19 = arith.muli %arg1, %mul3A_18 : i32
    "tpu.region"() ({
      %run_scoped3A_55 = tpu.sem_alloc : memref<!tpu.dma_semaphore, #tpu.memory_space<semaphore_mem>>
      %dma_start3A_56 = arith.constant 0 : i32
      %dma_start3A_57 = tpu.memref_slice %arg3[%mul3A_19, %dma_start3A_56] : memref<5120x64xi32, #tpu.memory_space<hbm>> -> memref<320x64xi32, #tpu.memory_space<hbm>>
      %dma_start3A_58 = arith.constant 0 : i32
      %dma_start3A_59 = tpu.memref_slice %arg3[%mul3A_19, %dma_start3A_58] : memref<5120x64xi32, #tpu.memory_space<hbm>> -> memref<320x64xi32, #tpu.memory_space<hbm>>
      tpu.enqueue_dma source(%dma_start3A_59 : memref<320x64xi32, #tpu.memory_space<hbm>>) target(%arg6 : memref<320x64xi32, #tpu.memory_space<vmem>>) target_semaphore(%run_scoped3A_55 : memref<!tpu.dma_semaphore, #tpu.memory_space<semaphore_mem>>)
      %dma_wait3A_60 = arith.constant 0 : i32
      %dma_wait3A_61 = tpu.memref_slice %arg3[%mul3A_19, %dma_wait3A_60] : memref<5120x64xi32, #tpu.memory_space<hbm>> -> memref<320x64xi32, #tpu.memory_space<hbm>>
      %dma_wait3A_62 = arith.constant 0 : i32
      %dma_wait3A_63 = tpu.memref_slice %arg3[%mul3A_19, %dma_wait3A_62] : memref<5120x64xi32, #tpu.memory_space<hbm>> -> memref<320x64xi32, #tpu.memory_space<hbm>>
      tpu.wait_dma2 semaphore(%run_scoped3A_55 : memref<!tpu.dma_semaphore, #tpu.memory_space<semaphore_mem>>) src(%dma_wait3A_63 : memref<320x64xi32, #tpu.memory_space<hbm>>) dst(%arg6 : memref<320x64xi32, #tpu.memory_space<vmem>>)
      tpu.yield
    }) : () -> ()
    %mul3A_20 = arith.constant 320 : i32
    %mul3A_21 = arith.muli %arg1, %mul3A_20 : i32
    "tpu.region"() ({
      %run_scoped3A_55 = tpu.sem_alloc : memref<!tpu.dma_semaphore, #tpu.memory_space<semaphore_mem>>
      %dma_start3A_56 = arith.constant 0 : i32
      %dma_start3A_57 = tpu.memref_slice %arg4[%mul3A_21, %dma_start3A_56] : memref<5120x64xi32, #tpu.memory_space<hbm>> -> memref<320x64xi32, #tpu.memory_space<hbm>>
      %dma_start3A_58 = arith.constant 0 : i32
      %dma_start3A_59 = tpu.memref_slice %arg4[%mul3A_21, %dma_start3A_58] : memref<5120x64xi32, #tpu.memory_space<hbm>> -> memref<320x64xi32, #tpu.memory_space<hbm>>
      tpu.enqueue_dma source(%dma_start3A_59 : memref<320x64xi32, #tpu.memory_space<hbm>>) target(%arg7 : memref<320x64xi32, #tpu.memory_space<vmem>>) target_semaphore(%run_scoped3A_55 : memref<!tpu.dma_semaphore, #tpu.memory_space<semaphore_mem>>)
      %dma_wait3A_60 = arith.constant 0 : i32
      %dma_wait3A_61 = tpu.memref_slice %arg4[%mul3A_21, %dma_wait3A_60] : memref<5120x64xi32, #tpu.memory_space<hbm>> -> memref<320x64xi32, #tpu.memory_space<hbm>>
      %dma_wait3A_62 = arith.constant 0 : i32
      %dma_wait3A_63 = tpu.memref_slice %arg4[%mul3A_21, %dma_wait3A_62] : memref<5120x64xi32, #tpu.memory_space<hbm>> -> memref<320x64xi32, #tpu.memory_space<hbm>>
      tpu.wait_dma2 semaphore(%run_scoped3A_55 : memref<!tpu.dma_semaphore, #tpu.memory_space<semaphore_mem>>) src(%dma_wait3A_63 : memref<320x64xi32, #tpu.memory_space<hbm>>) dst(%arg7 : memref<320x64xi32, #tpu.memory_space<vmem>>)
      tpu.yield
    }) : () -> ()
    %barrier3A = arith.constant 0 : index
    tpu.barrier barrier_id(%barrier3A)
    %dma_start3A = arith.constant 0 : i32
    %dma_start3A_22 = arith.constant 0 : i32
    %dma_start3A_23 = tpu.memref_slice %arg6[%dma_start3A, %dma_start3A_22] : memref<320x64xi32, #tpu.memory_space<vmem>> -> memref<1x64xi32, #tpu.memory_space<vmem>>
    %dma_start3A_24 = tpu.memref_squeeze %dma_start3A_23 : memref<1x64xi32, #tpu.memory_space<vmem>> -> memref<64xi32, #tpu.memory_space<vmem>>
    %dma_start3A_25 = arith.constant 0 : i32
    %dma_start3A_26 = arith.constant 0 : i32
    %dma_start3A_27 = tpu.memref_slice %arg11[%dma_start3A_25, %dma_start3A_26] : memref<10000x64xf32, #tpu.memory_space<vmem_shared>> -> memref<10000x64xf32, #tpu.memory_space<vmem_shared>>
    tpu.enqueue_indirect_dma source(%dma_start3A_27 : memref<10000x64xf32, #tpu.memory_space<vmem_shared>>) target(%arg8 : memref<64x64xf32, #tpu.memory_space<vmem>>) offsets(%dma_start3A_24 : memref<64xi32, #tpu.memory_space<vmem>>) semaphore(%arg12 : memref<!tpu.dma_semaphore, #tpu.memory_space<semaphore_mem>>)
    %scan3A_28 = arith.constant 0 : i32
    %scan3A_29 = arith.constant 159 : i32
    %scan3A_30 = arith.addi %scan3A_28, %scan3A_29 : i32
    %scan3A_31 = arith.constant 1 : i32
    scf.for %scan3A_55 = %scan3A_28 to %scan3A_30 step %scan3A_31  : i32 {
      %mul3A_56 = arith.constant 2 : i32
      %mul3A_57 = arith.muli %scan3A_55, %mul3A_56 : i32
      %add3A = arith.constant 0 : i32
      %add3A_58 = arith.addi %add3A, %mul3A_57 : i32
      %add3A_59 = arith.constant 1 : i32
      %add3A_60 = arith.addi %add3A_58, %add3A_59 : i32
      %dma_start3A_61 = arith.constant 0 : i32
      %dma_start3A_62 = tpu.memref_slice %arg6[%add3A_60, %dma_start3A_61] : memref<320x64xi32, #tpu.memory_space<vmem>> -> memref<1x64xi32, #tpu.memory_space<vmem>>
      %dma_start3A_63 = tpu.memref_squeeze %dma_start3A_62 : memref<1x64xi32, #tpu.memory_space<vmem>> -> memref<64xi32, #tpu.memory_space<vmem>>
      %dma_start3A_64 = arith.constant 0 : i32
      %dma_start3A_65 = arith.constant 0 : i32
      %dma_start3A_66 = tpu.memref_slice %arg11[%dma_start3A_64, %dma_start3A_65] : memref<10000x64xf32, #tpu.memory_space<vmem_shared>> -> memref<10000x64xf32, #tpu.memory_space<vmem_shared>>
      tpu.enqueue_indirect_dma source(%dma_start3A_66 : memref<10000x64xf32, #tpu.memory_space<vmem_shared>>) target(%arg9 : memref<64x64xf32, #tpu.memory_space<vmem>>) offsets(%dma_start3A_63 : memref<64xi32, #tpu.memory_space<vmem>>) semaphore(%arg13 : memref<!tpu.dma_semaphore, #tpu.memory_space<semaphore_mem>>)
      %dma_wait3A_67 = arith.constant 0 : i32
      %dma_wait3A_68 = arith.constant 0 : i32
      %dma_wait3A_69 = tpu.memref_slice %arg6[%dma_wait3A_67, %dma_wait3A_68] : memref<320x64xi32, #tpu.memory_space<vmem>> -> memref<1x64xi32, #tpu.memory_space<vmem>>
      %dma_wait3A_70 = tpu.memref_squeeze %dma_wait3A_69 : memref<1x64xi32, #tpu.memory_space<vmem>> -> memref<64xi32, #tpu.memory_space<vmem>>
      %dma_wait3A_71 = arith.constant 0 : i32
      %dma_wait3A_72 = arith.constant 0 : i32
      %dma_wait3A_73 = tpu.memref_slice %arg11[%dma_wait3A_71, %dma_wait3A_72] : memref<10000x64xf32, #tpu.memory_space<vmem_shared>> -> memref<10000x64xf32, #tpu.memory_space<vmem_shared>>
      tpu.wait_indirect_dma semaphore(%arg12 : memref<!tpu.dma_semaphore, #tpu.memory_space<semaphore_mem>>) src(%dma_wait3A_73 : memref<10000x64xf32, #tpu.memory_space<vmem_shared>>) dst(%arg8 : memref<64x64xf32, #tpu.memory_space<vmem>>)
      "tpu.region"() ({
        %run_scoped3A_91 = tpu.sem_alloc : memref<!tpu.dma_semaphore, #tpu.memory_space<semaphore_mem>>
        %dma_start3A_92 = arith.constant 0 : i32
        %dma_start3A_93 = tpu.memref_slice %arg7[%add3A_58, %dma_start3A_92] : memref<320x64xi32, #tpu.memory_space<vmem>> -> memref<1x64xi32, #tpu.memory_space<vmem>>
        %dma_start3A_94 = tpu.memref_squeeze %dma_start3A_93 : memref<1x64xi32, #tpu.memory_space<vmem>> -> memref<64xi32, #tpu.memory_space<vmem>>
        %dma_start3A_95 = arith.constant 0 : i32
        %dma_start3A_96 = arith.constant 0 : i32
        %dma_start3A_97 = tpu.memref_slice %arg10[%dma_start3A_95, %dma_start3A_96] : memref<10240x64xf32, #tpu.memory_space<vmem_shared>> -> memref<10240x64xf32, #tpu.memory_space<vmem_shared>>
        tpu.enqueue_indirect_dma source(%arg8 : memref<64x64xf32, #tpu.memory_space<vmem>>) target(%dma_start3A_97 : memref<10240x64xf32, #tpu.memory_space<vmem_shared>>) offsets(%dma_start3A_94 : memref<64xi32, #tpu.memory_space<vmem>>) semaphore(%run_scoped3A_91 : memref<!tpu.dma_semaphore, #tpu.memory_space<semaphore_mem>>) {add = true}
        %dma_wait3A_98 = arith.constant 0 : i32
        %dma_wait3A_99 = tpu.memref_slice %arg7[%add3A_58, %dma_wait3A_98] : memref<320x64xi32, #tpu.memory_space<vmem>> -> memref<1x64xi32, #tpu.memory_space<vmem>>
        %dma_wait3A_100 = tpu.memref_squeeze %dma_wait3A_99 : memref<1x64xi32, #tpu.memory_space<vmem>> -> memref<64xi32, #tpu.memory_space<vmem>>
        %dma_wait3A_101 = arith.constant 0 : i32
        %dma_wait3A_102 = arith.constant 0 : i32
        %dma_wait3A_103 = tpu.memref_slice %arg10[%dma_wait3A_101, %dma_wait3A_102] : memref<10240x64xf32, #tpu.memory_space<vmem_shared>> -> memref<10240x64xf32, #tpu.memory_space<vmem_shared>>
        tpu.wait_indirect_dma semaphore(%run_scoped3A_91 : memref<!tpu.dma_semaphore, #tpu.memory_space<semaphore_mem>>) src(%arg8 : memref<64x64xf32, #tpu.memory_space<vmem>>) dst(%dma_wait3A_103 : memref<10240x64xf32, #tpu.memory_space<vmem_shared>>)
        tpu.yield
      }) : () -> ()
      %add3A_74 = arith.constant 2 : i32
      %add3A_75 = arith.addi %add3A_58, %add3A_74 : i32
      %dma_start3A_76 = arith.constant 0 : i32
      %dma_start3A_77 = tpu.memref_slice %arg6[%add3A_75, %dma_start3A_76] : memref<320x64xi32, #tpu.memory_space<vmem>> -> memref<1x64xi32, #tpu.memory_space<vmem>>
      %dma_start3A_78 = tpu.memref_squeeze %dma_start3A_77 : memref<1x64xi32, #tpu.memory_space<vmem>> -> memref<64xi32, #tpu.memory_space<vmem>>
      %dma_start3A_79 = arith.constant 0 : i32
      %dma_start3A_80 = arith.constant 0 : i32
      %dma_start3A_81 = tpu.memref_slice %arg11[%dma_start3A_79, %dma_start3A_80] : memref<10000x64xf32, #tpu.memory_space<vmem_shared>> -> memref<10000x64xf32, #tpu.memory_space<vmem_shared>>
      tpu.enqueue_indirect_dma source(%dma_start3A_81 : memref<10000x64xf32, #tpu.memory_space<vmem_shared>>) target(%arg8 : memref<64x64xf32, #tpu.memory_space<vmem>>) offsets(%dma_start3A_78 : memref<64xi32, #tpu.memory_space<vmem>>) semaphore(%arg12 : memref<!tpu.dma_semaphore, #tpu.memory_space<semaphore_mem>>)
      %dma_wait3A_82 = arith.constant 0 : i32
      %dma_wait3A_83 = arith.constant 0 : i32
      %dma_wait3A_84 = tpu.memref_slice %arg6[%dma_wait3A_82, %dma_wait3A_83] : memref<320x64xi32, #tpu.memory_space<vmem>> -> memref<1x64xi32, #tpu.memory_space<vmem>>
      %dma_wait3A_85 = tpu.memref_squeeze %dma_wait3A_84 : memref<1x64xi32, #tpu.memory_space<vmem>> -> memref<64xi32, #tpu.memory_space<vmem>>
      %dma_wait3A_86 = arith.constant 0 : i32
      %dma_wait3A_87 = arith.constant 0 : i32
      %dma_wait3A_88 = tpu.memref_slice %arg11[%dma_wait3A_86, %dma_wait3A_87] : memref<10000x64xf32, #tpu.memory_space<vmem_shared>> -> memref<10000x64xf32, #tpu.memory_space<vmem_shared>>
      tpu.wait_indirect_dma semaphore(%arg13 : memref<!tpu.dma_semaphore, #tpu.memory_space<semaphore_mem>>) src(%dma_wait3A_88 : memref<10000x64xf32, #tpu.memory_space<vmem_shared>>) dst(%arg9 : memref<64x64xf32, #tpu.memory_space<vmem>>)
      %add3A_89 = arith.constant 1 : i32
      %add3A_90 = arith.addi %add3A_58, %add3A_89 : i32
      "tpu.region"() ({
        %run_scoped3A_91 = tpu.sem_alloc : memref<!tpu.dma_semaphore, #tpu.memory_space<semaphore_mem>>
        %dma_start3A_92 = arith.constant 0 : i32
        %dma_start3A_93 = tpu.memref_slice %arg7[%add3A_90, %dma_start3A_92] : memref<320x64xi32, #tpu.memory_space<vmem>> -> memref<1x64xi32, #tpu.memory_space<vmem>>
        %dma_start3A_94 = tpu.memref_squeeze %dma_start3A_93 : memref<1x64xi32, #tpu.memory_space<vmem>> -> memref<64xi32, #tpu.memory_space<vmem>>
        %dma_start3A_95 = arith.constant 0 : i32
        %dma_start3A_96 = arith.constant 0 : i32
        %dma_start3A_97 = tpu.memref_slice %arg10[%dma_start3A_95, %dma_start3A_96] : memref<10240x64xf32, #tpu.memory_space<vmem_shared>> -> memref<10240x64xf32, #tpu.memory_space<vmem_shared>>
        tpu.enqueue_indirect_dma source(%arg9 : memref<64x64xf32, #tpu.memory_space<vmem>>) target(%dma_start3A_97 : memref<10240x64xf32, #tpu.memory_space<vmem_shared>>) offsets(%dma_start3A_94 : memref<64xi32, #tpu.memory_space<vmem>>) semaphore(%run_scoped3A_91 : memref<!tpu.dma_semaphore, #tpu.memory_space<semaphore_mem>>) {add = true}
        %dma_wait3A_98 = arith.constant 0 : i32
        %dma_wait3A_99 = tpu.memref_slice %arg7[%add3A_90, %dma_wait3A_98] : memref<320x64xi32, #tpu.memory_space<vmem>> -> memref<1x64xi32, #tpu.memory_space<vmem>>
        %dma_wait3A_100 = tpu.memref_squeeze %dma_wait3A_99 : memref<1x64xi32, #tpu.memory_space<vmem>> -> memref<64xi32, #tpu.memory_space<vmem>>
        %dma_wait3A_101 = arith.constant 0 : i32
        %dma_wait3A_102 = arith.constant 0 : i32
        %dma_wait3A_103 = tpu.memref_slice %arg10[%dma_wait3A_101, %dma_wait3A_102] : memref<10240x64xf32, #tpu.memory_space<vmem_shared>> -> memref<10240x64xf32, #tpu.memory_space<vmem_shared>>
        tpu.wait_indirect_dma semaphore(%run_scoped3A_91 : memref<!tpu.dma_semaphore, #tpu.memory_space<semaphore_mem>>) src(%arg9 : memref<64x64xf32, #tpu.memory_space<vmem>>) dst(%dma_wait3A_103 : memref<10240x64xf32, #tpu.memory_space<vmem_shared>>)
        tpu.yield
      }) : () -> ()
    }
    %scan3A_32 = arith.constant 159 : i32
    %dma_start3A_33 = arith.constant 319 : i32
    %dma_start3A_34 = arith.constant 0 : i32
    %dma_start3A_35 = tpu.memref_slice %arg6[%dma_start3A_33, %dma_start3A_34] : memref<320x64xi32, #tpu.memory_space<vmem>> -> memref<1x64xi32, #tpu.memory_space<vmem>>
    %dma_start3A_36 = tpu.memref_squeeze %dma_start3A_35 : memref<1x64xi32, #tpu.memory_space<vmem>> -> memref<64xi32, #tpu.memory_space<vmem>>
    %dma_start3A_37 = arith.constant 0 : i32
    %dma_start3A_38 = arith.constant 0 : i32
    %dma_start3A_39 = tpu.memref_slice %arg11[%dma_start3A_37, %dma_start3A_38] : memref<10000x64xf32, #tpu.memory_space<vmem_shared>> -> memref<10000x64xf32, #tpu.memory_space<vmem_shared>>
    tpu.enqueue_indirect_dma source(%dma_start3A_39 : memref<10000x64xf32, #tpu.memory_space<vmem_shared>>) target(%arg9 : memref<64x64xf32, #tpu.memory_space<vmem>>) offsets(%dma_start3A_36 : memref<64xi32, #tpu.memory_space<vmem>>) semaphore(%arg13 : memref<!tpu.dma_semaphore, #tpu.memory_space<semaphore_mem>>)
    %dma_wait3A = arith.constant 0 : i32
    %dma_wait3A_40 = arith.constant 0 : i32
    %dma_wait3A_41 = tpu.memref_slice %arg6[%dma_wait3A, %dma_wait3A_40] : memref<320x64xi32, #tpu.memory_space<vmem>> -> memref<1x64xi32, #tpu.memory_space<vmem>>
    %dma_wait3A_42 = tpu.memref_squeeze %dma_wait3A_41 : memref<1x64xi32, #tpu.memory_space<vmem>> -> memref<64xi32, #tpu.memory_space<vmem>>
    %dma_wait3A_43 = arith.constant 0 : i32
    %dma_wait3A_44 = arith.constant 0 : i32
    %dma_wait3A_45 = tpu.memref_slice %arg11[%dma_wait3A_43, %dma_wait3A_44] : memref<10000x64xf32, #tpu.memory_space<vmem_shared>> -> memref<10000x64xf32, #tpu.memory_space<vmem_shared>>
    tpu.wait_indirect_dma semaphore(%arg12 : memref<!tpu.dma_semaphore, #tpu.memory_space<semaphore_mem>>) src(%dma_wait3A_45 : memref<10000x64xf32, #tpu.memory_space<vmem_shared>>) dst(%arg8 : memref<64x64xf32, #tpu.memory_space<vmem>>)
    %run_scoped3A = arith.constant 318 : i32
    "tpu.region"() ({
      %run_scoped3A_55 = tpu.sem_alloc : memref<!tpu.dma_semaphore, #tpu.memory_space<semaphore_mem>>
      %dma_start3A_56 = arith.constant 0 : i32
      %dma_start3A_57 = tpu.memref_slice %arg7[%run_scoped3A, %dma_start3A_56] : memref<320x64xi32, #tpu.memory_space<vmem>> -> memref<1x64xi32, #tpu.memory_space<vmem>>
      %dma_start3A_58 = tpu.memref_squeeze %dma_start3A_57 : memref<1x64xi32, #tpu.memory_space<vmem>> -> memref<64xi32, #tpu.memory_space<vmem>>
      %dma_start3A_59 = arith.constant 0 : i32
      %dma_start3A_60 = arith.constant 0 : i32
      %dma_start3A_61 = tpu.memref_slice %arg10[%dma_start3A_59, %dma_start3A_60] : memref<10240x64xf32, #tpu.memory_space<vmem_shared>> -> memref<10240x64xf32, #tpu.memory_space<vmem_shared>>
      tpu.enqueue_indirect_dma source(%arg8 : memref<64x64xf32, #tpu.memory_space<vmem>>) target(%dma_start3A_61 : memref<10240x64xf32, #tpu.memory_space<vmem_shared>>) offsets(%dma_start3A_58 : memref<64xi32, #tpu.memory_space<vmem>>) semaphore(%run_scoped3A_55 : memref<!tpu.dma_semaphore, #tpu.memory_space<semaphore_mem>>) {add = true}
      %dma_wait3A_62 = arith.constant 0 : i32
      %dma_wait3A_63 = tpu.memref_slice %arg7[%run_scoped3A, %dma_wait3A_62] : memref<320x64xi32, #tpu.memory_space<vmem>> -> memref<1x64xi32, #tpu.memory_space<vmem>>
      %dma_wait3A_64 = tpu.memref_squeeze %dma_wait3A_63 : memref<1x64xi32, #tpu.memory_space<vmem>> -> memref<64xi32, #tpu.memory_space<vmem>>
      %dma_wait3A_65 = arith.constant 0 : i32
      %dma_wait3A_66 = arith.constant 0 : i32
      %dma_wait3A_67 = tpu.memref_slice %arg10[%dma_wait3A_65, %dma_wait3A_66] : memref<10240x64xf32, #tpu.memory_space<vmem_shared>> -> memref<10240x64xf32, #tpu.memory_space<vmem_shared>>
      tpu.wait_indirect_dma semaphore(%run_scoped3A_55 : memref<!tpu.dma_semaphore, #tpu.memory_space<semaphore_mem>>) src(%arg8 : memref<64x64xf32, #tpu.memory_space<vmem>>) dst(%dma_wait3A_67 : memref<10240x64xf32, #tpu.memory_space<vmem_shared>>)
      tpu.yield
    }) : () -> ()
    %dma_wait3A_46 = arith.constant 0 : i32
    %dma_wait3A_47 = arith.constant 0 : i32
    %dma_wait3A_48 = tpu.memref_slice %arg6[%dma_wait3A_46, %dma_wait3A_47] : memref<320x64xi32, #tpu.memory_space<vmem>> -> memref<1x64xi32, #tpu.memory_space<vmem>>
    %dma_wait3A_49 = tpu.memref_squeeze %dma_wait3A_48 : memref<1x64xi32, #tpu.memory_space<vmem>> -> memref<64xi32, #tpu.memory_space<vmem>>
    %dma_wait3A_50 = arith.constant 0 : i32
    %dma_wait3A_51 = arith.constant 0 : i32
    %dma_wait3A_52 = tpu.memref_slice %arg11[%dma_wait3A_50, %dma_wait3A_51] : memref<10000x64xf32, #tpu.memory_space<vmem_shared>> -> memref<10000x64xf32, #tpu.memory_space<vmem_shared>>
    tpu.wait_indirect_dma semaphore(%arg13 : memref<!tpu.dma_semaphore, #tpu.memory_space<semaphore_mem>>) src(%dma_wait3A_52 : memref<10000x64xf32, #tpu.memory_space<vmem_shared>>) dst(%arg9 : memref<64x64xf32, #tpu.memory_space<vmem>>)
    %run_scoped3A_53 = arith.constant 319 : i32
    "tpu.region"() ({
      %run_scoped3A_55 = tpu.sem_alloc : memref<!tpu.dma_semaphore, #tpu.memory_space<semaphore_mem>>
      %dma_start3A_56 = arith.constant 0 : i32
      %dma_start3A_57 = tpu.memref_slice %arg7[%run_scoped3A_53, %dma_start3A_56] : memref<320x64xi32, #tpu.memory_space<vmem>> -> memref<1x64xi32, #tpu.memory_space<vmem>>
      %dma_start3A_58 = tpu.memref_squeeze %dma_start3A_57 : memref<1x64xi32, #tpu.memory_space<vmem>> -> memref<64xi32, #tpu.memory_space<vmem>>
      %dma_start3A_59 = arith.constant 0 : i32
      %dma_start3A_60 = arith.constant 0 : i32
      %dma_start3A_61 = tpu.memref_slice %arg10[%dma_start3A_59, %dma_start3A_60] : memref<10240x64xf32, #tpu.memory_space<vmem_shared>> -> memref<10240x64xf32, #tpu.memory_space<vmem_shared>>
      tpu.enqueue_indirect_dma source(%arg9 : memref<64x64xf32, #tpu.memory_space<vmem>>) target(%dma_start3A_61 : memref<10240x64xf32, #tpu.memory_space<vmem_shared>>) offsets(%dma_start3A_58 : memref<64xi32, #tpu.memory_space<vmem>>) semaphore(%run_scoped3A_55 : memref<!tpu.dma_semaphore, #tpu.memory_space<semaphore_mem>>) {add = true}
      %dma_wait3A_62 = arith.constant 0 : i32
      %dma_wait3A_63 = tpu.memref_slice %arg7[%run_scoped3A_53, %dma_wait3A_62] : memref<320x64xi32, #tpu.memory_space<vmem>> -> memref<1x64xi32, #tpu.memory_space<vmem>>
      %dma_wait3A_64 = tpu.memref_squeeze %dma_wait3A_63 : memref<1x64xi32, #tpu.memory_space<vmem>> -> memref<64xi32, #tpu.memory_space<vmem>>
      %dma_wait3A_65 = arith.constant 0 : i32
      %dma_wait3A_66 = arith.constant 0 : i32
      %dma_wait3A_67 = tpu.memref_slice %arg10[%dma_wait3A_65, %dma_wait3A_66] : memref<10240x64xf32, #tpu.memory_space<vmem_shared>> -> memref<10240x64xf32, #tpu.memory_space<vmem_shared>>
      tpu.wait_indirect_dma semaphore(%run_scoped3A_55 : memref<!tpu.dma_semaphore, #tpu.memory_space<semaphore_mem>>) src(%arg9 : memref<64x64xf32, #tpu.memory_space<vmem>>) dst(%dma_wait3A_67 : memref<10240x64xf32, #tpu.memory_space<vmem_shared>>)
      tpu.yield
    }) : () -> ()
    %barrier3A_54 = arith.constant 0 : index
    tpu.barrier barrier_id(%barrier3A_54)
    "tpu.region"() ({
      %run_scoped3A_55 = tpu.sem_alloc : memref<!tpu.dma_semaphore, #tpu.memory_space<semaphore_mem>>
      %dma_start3A_56 = arith.constant 0 : i32
      %dma_start3A_57 = tpu.memref_slice %arg5[%arg0, %mul3A_0, %dma_start3A_56] : memref<2x10240x64xf32, #tpu.memory_space<hbm>> -> memref<1x640x64xf32, #tpu.memory_space<hbm>>
      %dma_start3A_58 = tpu.memref_squeeze %dma_start3A_57 : memref<1x640x64xf32, #tpu.memory_space<hbm>> -> memref<640x64xf32, #tpu.memory_space<hbm>>
      %dma_start3A_59 = arith.constant 0 : i32
      %dma_start3A_60 = tpu.memref_slice %arg10[%mul3A_0, %dma_start3A_59] : memref<10240x64xf32, #tpu.memory_space<vmem_shared>> -> memref<640x64xf32, #tpu.memory_space<vmem_shared>>
      tpu.enqueue_dma source(%dma_start3A_60 : memref<640x64xf32, #tpu.memory_space<vmem_shared>>) target(%dma_start3A_58 : memref<640x64xf32, #tpu.memory_space<hbm>>) target_semaphore(%run_scoped3A_55 : memref<!tpu.dma_semaphore, #tpu.memory_space<semaphore_mem>>)
      %dma_wait3A_61 = arith.constant 0 : i32
      %dma_wait3A_62 = tpu.memref_slice %arg5[%arg0, %mul3A_0, %dma_wait3A_61] : memref<2x10240x64xf32, #tpu.memory_space<hbm>> -> memref<1x640x64xf32, #tpu.memory_space<hbm>>
      %dma_wait3A_63 = tpu.memref_squeeze %dma_wait3A_62 : memref<1x640x64xf32, #tpu.memory_space<hbm>> -> memref<640x64xf32, #tpu.memory_space<hbm>>
      %dma_wait3A_64 = arith.constant 0 : i32
      %dma_wait3A_65 = tpu.memref_slice %arg10[%mul3A_0, %dma_wait3A_64] : memref<10240x64xf32, #tpu.memory_space<vmem_shared>> -> memref<640x64xf32, #tpu.memory_space<vmem_shared>>
      tpu.wait_dma2 semaphore(%run_scoped3A_55 : memref<!tpu.dma_semaphore, #tpu.memory_space<semaphore_mem>>) src(%dma_wait3A_65 : memref<640x64xf32, #tpu.memory_space<vmem_shared>>) dst(%dma_wait3A_63 : memref<640x64xf32, #tpu.memory_space<hbm>>)
      tpu.yield
    }) : () -> ()
    return
  }
}

#map = affine_map<(d0, d1) -> (0, 0)>
#map1 = affine_map<(d0, d1) -> (0, 0, 0)>
module attributes {stable_mosaic.version = 14 : i64} {
  func.func @_sc_cnt_body(%arg0: i32, %arg1: i32, %arg2: memref<5120x64xi32, #tpu.memory_space<hbm>>, %arg3: memref<2x10240x16xf32, #tpu.memory_space<hbm>>, %arg4: memref<320x64xi32, #tpu.memory_space<vmem>>, %arg5: memref<64x16xf32, #tpu.memory_space<vmem>>, %arg6: memref<10240x16xf32, #tpu.memory_space<vmem_shared>>, %arg7: memref<!tpu.dma_semaphore, #tpu.memory_space<semaphore_mem>>) attributes {dimension_semantics = [#tpu.dimension_semantics<core_parallel>, #tpu.dimension_semantics<subcore_parallel>], iteration_bounds = array<i64: 2, 16>, scalar_prefetch = 0 : i64, scratch_operands = 4 : i64, tpu.core_type = #tpu.core_type<sc_vector_subcore>, window_params = [{transform_indices = #map}, {transform_indices = #map1}]} {
    %mul3A = arith.constant 640 : i32
    %mul3A_0 = arith.muli %arg1, %mul3A : i32
    %scan3A = arith.constant 0 : i32
    %scan3A_1 = arith.constant 64 : i32
    %scan3A_2 = arith.addi %scan3A, %scan3A_1 : i32
    %scan3A_3 = arith.constant 1 : i32
    scf.for %scan3A_28 = %scan3A to %scan3A_2 step %scan3A_3  : i32 {
      %mul3A_29 = arith.constant 1 : i32
      %mul3A_30 = arith.muli %scan3A_28, %mul3A_29 : i32
      %add3A = arith.constant 0 : i32
      %add3A_31 = arith.addi %add3A, %mul3A_30 : i32
      %broadcast_in_dim3A = arith.constant 0.000000e+00 : f32
      %broadcast_in_dim3A_32 = vector.broadcast %broadcast_in_dim3A : f32 to vector<16xf32>
      %swap3A = arith.index_cast %add3A_31 : i32 to index
      %swap3A_33 = arith.constant 0 : index
      %swap3A_34 = tpu.vector_load %arg5[%swap3A, %swap3A_33] {strides = array<i32>} : memref<64x16xf32, #tpu.memory_space<vmem>>, vector<1x16xf32>,
      %swap3A_35 = vector.shape_cast %swap3A_34 : vector<1x16xf32> to vector<16xf32>
      %swap3A_36 = vector.shape_cast %broadcast_in_dim3A_32 : vector<16xf32> to vector<1x16xf32>
      tpu.vector_store %arg5[%swap3A, %swap3A_33], %swap3A_36 {strides = array<i32>} : memref<64x16xf32, #tpu.memory_space<vmem>>, vector<1x16xf32>,
    }
    %scan3A_4 = arith.constant 64 : i32
    %scan3A_5 = arith.constant 0 : i32
    %scan3A_6 = arith.constant 10 : i32
    %scan3A_7 = arith.addi %scan3A_5, %scan3A_6 : i32
    %scan3A_8 = arith.constant 1 : i32
    scf.for %scan3A_28 = %scan3A_5 to %scan3A_7 step %scan3A_8  : i32 {
      %mul3A_29 = arith.constant 64 : i32
      %mul3A_30 = arith.muli %scan3A_28, %mul3A_29 : i32
      %add3A = arith.constant 0 : i32
      %add3A_31 = arith.addi %add3A, %mul3A_30 : i32
      %add3A_32 = arith.addi %mul3A_0, %add3A_31 : i32
      "tpu.region"() ({
        %run_scoped3A = tpu.sem_alloc : memref<!tpu.dma_semaphore, #tpu.memory_space<semaphore_mem>>
        %dma_start3A = arith.constant 0 : i32
        %dma_start3A_33 = tpu.memref_slice %arg6[%add3A_32, %dma_start3A] : memref<10240x16xf32, #tpu.memory_space<vmem_shared>> -> memref<64x16xf32, #tpu.memory_space<vmem_shared>>
        %dma_start3A_34 = arith.constant 0 : i32
        %dma_start3A_35 = tpu.memref_slice %arg6[%add3A_32, %dma_start3A_34] : memref<10240x16xf32, #tpu.memory_space<vmem_shared>> -> memref<64x16xf32, #tpu.memory_space<vmem_shared>>
        tpu.enqueue_dma source(%arg5 : memref<64x16xf32, #tpu.memory_space<vmem>>) target(%dma_start3A_35 : memref<64x16xf32, #tpu.memory_space<vmem_shared>>) target_semaphore(%run_scoped3A : memref<!tpu.dma_semaphore, #tpu.memory_space<semaphore_mem>>)
        %dma_wait3A = arith.constant 0 : i32
        %dma_wait3A_36 = tpu.memref_slice %arg6[%add3A_32, %dma_wait3A] : memref<10240x16xf32, #tpu.memory_space<vmem_shared>> -> memref<64x16xf32, #tpu.memory_space<vmem_shared>>
        %dma_wait3A_37 = arith.constant 0 : i32
        %dma_wait3A_38 = tpu.memref_slice %arg6[%add3A_32, %dma_wait3A_37] : memref<10240x16xf32, #tpu.memory_space<vmem_shared>> -> memref<64x16xf32, #tpu.memory_space<vmem_shared>>
        tpu.wait_dma2 semaphore(%run_scoped3A : memref<!tpu.dma_semaphore, #tpu.memory_space<semaphore_mem>>) src(%arg5 : memref<64x16xf32, #tpu.memory_space<vmem>>) dst(%dma_wait3A_38 : memref<64x16xf32, #tpu.memory_space<vmem_shared>>)
        tpu.yield
      }) : () -> ()
    }
    %scan3A_9 = arith.constant 10 : i32
    %scan3A_10 = arith.constant 0 : i32
    %scan3A_11 = arith.constant 64 : i32
    %scan3A_12 = arith.addi %scan3A_10, %scan3A_11 : i32
    %scan3A_13 = arith.constant 1 : i32
    scf.for %scan3A_28 = %scan3A_10 to %scan3A_12 step %scan3A_13  : i32 {
      %mul3A_29 = arith.constant 1 : i32
      %mul3A_30 = arith.muli %scan3A_28, %mul3A_29 : i32
      %add3A = arith.constant 0 : i32
      %add3A_31 = arith.addi %add3A, %mul3A_30 : i32
      %broadcast_in_dim3A = arith.constant 1.000000e+00 : f32
      %broadcast_in_dim3A_32 = vector.broadcast %broadcast_in_dim3A : f32 to vector<16xf32>
      %swap3A = arith.index_cast %add3A_31 : i32 to index
      %swap3A_33 = arith.constant 0 : index
      %swap3A_34 = tpu.vector_load %arg5[%swap3A, %swap3A_33] {strides = array<i32>} : memref<64x16xf32, #tpu.memory_space<vmem>>, vector<1x16xf32>,
      %swap3A_35 = vector.shape_cast %swap3A_34 : vector<1x16xf32> to vector<16xf32>
      %swap3A_36 = vector.shape_cast %broadcast_in_dim3A_32 : vector<16xf32> to vector<1x16xf32>
      tpu.vector_store %arg5[%swap3A, %swap3A_33], %swap3A_36 {strides = array<i32>} : memref<64x16xf32, #tpu.memory_space<vmem>>, vector<1x16xf32>,
    }
    %scan3A_14 = arith.constant 64 : i32
    %mul3A_15 = arith.constant 320 : i32
    %mul3A_16 = arith.muli %arg1, %mul3A_15 : i32
    "tpu.region"() ({
      %run_scoped3A = tpu.sem_alloc : memref<!tpu.dma_semaphore, #tpu.memory_space<semaphore_mem>>
      %dma_start3A = arith.constant 0 : i32
      %dma_start3A_28 = tpu.memref_slice %arg2[%mul3A_16, %dma_start3A] : memref<5120x64xi32, #tpu.memory_space<hbm>> -> memref<320x64xi32, #tpu.memory_space<hbm>>
      %dma_start3A_29 = arith.constant 0 : i32
      %dma_start3A_30 = tpu.memref_slice %arg2[%mul3A_16, %dma_start3A_29] : memref<5120x64xi32, #tpu.memory_space<hbm>> -> memref<320x64xi32, #tpu.memory_space<hbm>>
      tpu.enqueue_dma source(%dma_start3A_30 : memref<320x64xi32, #tpu.memory_space<hbm>>) target(%arg4 : memref<320x64xi32, #tpu.memory_space<vmem>>) target_semaphore(%run_scoped3A : memref<!tpu.dma_semaphore, #tpu.memory_space<semaphore_mem>>)
      %dma_wait3A = arith.constant 0 : i32
      %dma_wait3A_31 = tpu.memref_slice %arg2[%mul3A_16, %dma_wait3A] : memref<5120x64xi32, #tpu.memory_space<hbm>> -> memref<320x64xi32, #tpu.memory_space<hbm>>
      %dma_wait3A_32 = arith.constant 0 : i32
      %dma_wait3A_33 = tpu.memref_slice %arg2[%mul3A_16, %dma_wait3A_32] : memref<5120x64xi32, #tpu.memory_space<hbm>> -> memref<320x64xi32, #tpu.memory_space<hbm>>
      tpu.wait_dma2 semaphore(%run_scoped3A : memref<!tpu.dma_semaphore, #tpu.memory_space<semaphore_mem>>) src(%dma_wait3A_33 : memref<320x64xi32, #tpu.memory_space<hbm>>) dst(%arg4 : memref<320x64xi32, #tpu.memory_space<vmem>>)
      tpu.yield
    }) : () -> ()
    %barrier3A = arith.constant 0 : index
    tpu.barrier barrier_id(%barrier3A)
    %scan3A_17 = arith.constant 0 : i32
    %scan3A_18 = arith.constant 160 : i32
    %scan3A_19 = arith.addi %scan3A_17, %scan3A_18 : i32
    %scan3A_20 = arith.constant 1 : i32
    scf.for %scan3A_28 = %scan3A_17 to %scan3A_19 step %scan3A_20  : i32 {
      %mul3A_29 = arith.constant 2 : i32
      %mul3A_30 = arith.muli %scan3A_28, %mul3A_29 : i32
      %add3A = arith.constant 0 : i32
      %add3A_31 = arith.addi %add3A, %mul3A_30 : i32
      %add3A_32 = arith.addi %add3A_31, %arg0 : i32
      %dma_start3A = arith.constant 0 : i32
      %dma_start3A_33 = tpu.memref_slice %arg4[%add3A_32, %dma_start3A] : memref<320x64xi32, #tpu.memory_space<vmem>> -> memref<1x64xi32, #tpu.memory_space<vmem>>
      %dma_start3A_34 = tpu.memref_squeeze %dma_start3A_33 : memref<1x64xi32, #tpu.memory_space<vmem>> -> memref<64xi32, #tpu.memory_space<vmem>>
      %dma_start3A_35 = arith.constant 0 : i32
      %dma_start3A_36 = arith.constant 0 : i32
      %dma_start3A_37 = tpu.memref_slice %arg6[%dma_start3A_35, %dma_start3A_36] : memref<10240x16xf32, #tpu.memory_space<vmem_shared>> -> memref<10240x16xf32, #tpu.memory_space<vmem_shared>>
      tpu.enqueue_indirect_dma source(%arg5 : memref<64x16xf32, #tpu.memory_space<vmem>>) target(%dma_start3A_37 : memref<10240x16xf32, #tpu.memory_space<vmem_shared>>) offsets(%dma_start3A_34 : memref<64xi32, #tpu.memory_space<vmem>>) semaphore(%arg7 : memref<!tpu.dma_semaphore, #tpu.memory_space<semaphore_mem>>) {add = true}
      %ge3A = arith.constant 16 : i32
      %ge3A_38 = arith.cmpi sge, %add3A_31, %ge3A : i32
      %convert_element_type3A = arith.extui %ge3A_38 : i1 to i32
      %cond3A = arith.constant 0 : i32
      %cond3A_39 = arith.cmpi ne, %convert_element_type3A, %cond3A : i32
      scf.if %cond3A_39 {
        %dma_wait3A = arith.constant 0 : i32
        %dma_wait3A_40 = arith.constant 0 : i32
        %dma_wait3A_41 = tpu.memref_slice %arg4[%dma_wait3A, %dma_wait3A_40] : memref<320x64xi32, #tpu.memory_space<vmem>> -> memref<1x64xi32, #tpu.memory_space<vmem>>
        %dma_wait3A_42 = tpu.memref_squeeze %dma_wait3A_41 : memref<1x64xi32, #tpu.memory_space<vmem>> -> memref<64xi32, #tpu.memory_space<vmem>>
        %dma_wait3A_43 = arith.constant 0 : i32
        %dma_wait3A_44 = arith.constant 0 : i32
        %dma_wait3A_45 = tpu.memref_slice %arg6[%dma_wait3A_43, %dma_wait3A_44] : memref<10240x16xf32, #tpu.memory_space<vmem_shared>> -> memref<10240x16xf32, #tpu.memory_space<vmem_shared>>
        tpu.wait_indirect_dma semaphore(%arg7 : memref<!tpu.dma_semaphore, #tpu.memory_space<semaphore_mem>>) src(%arg5 : memref<64x16xf32, #tpu.memory_space<vmem>>) dst(%dma_wait3A_45 : memref<10240x16xf32, #tpu.memory_space<vmem_shared>>)
      } else {
      }
    }
    %scan3A_21 = arith.constant 160 : i32
    %scan3A_22 = arith.constant 0 : i32
    %scan3A_23 = arith.constant 8 : i32
    %scan3A_24 = arith.addi %scan3A_22, %scan3A_23 : i32
    %scan3A_25 = arith.constant 1 : i32
    scf.for %scan3A_28 = %scan3A_22 to %scan3A_24 step %scan3A_25  : i32 {
      %mul3A_29 = arith.constant 1 : i32
      %mul3A_30 = arith.muli %scan3A_28, %mul3A_29 : i32
      %add3A = arith.constant 0 : i32
      %add3A_31 = arith.addi %add3A, %mul3A_30 : i32
      %dma_wait3A = arith.constant 0 : i32
      %dma_wait3A_32 = arith.constant 0 : i32
      %dma_wait3A_33 = tpu.memref_slice %arg4[%dma_wait3A, %dma_wait3A_32] : memref<320x64xi32, #tpu.memory_space<vmem>> -> memref<1x64xi32, #tpu.memory_space<vmem>>
      %dma_wait3A_34 = tpu.memref_squeeze %dma_wait3A_33 : memref<1x64xi32, #tpu.memory_space<vmem>> -> memref<64xi32, #tpu.memory_space<vmem>>
      %dma_wait3A_35 = arith.constant 0 : i32
      %dma_wait3A_36 = arith.constant 0 : i32
      %dma_wait3A_37 = tpu.memref_slice %arg6[%dma_wait3A_35, %dma_wait3A_36] : memref<10240x16xf32, #tpu.memory_space<vmem_shared>> -> memref<10240x16xf32, #tpu.memory_space<vmem_shared>>
      tpu.wait_indirect_dma semaphore(%arg7 : memref<!tpu.dma_semaphore, #tpu.memory_space<semaphore_mem>>) src(%arg5 : memref<64x16xf32, #tpu.memory_space<vmem>>) dst(%dma_wait3A_37 : memref<10240x16xf32, #tpu.memory_space<vmem_shared>>)
    }
    %scan3A_26 = arith.constant 8 : i32
    %barrier3A_27 = arith.constant 0 : index
    tpu.barrier barrier_id(%barrier3A_27)
    "tpu.region"() ({
      %run_scoped3A = tpu.sem_alloc : memref<!tpu.dma_semaphore, #tpu.memory_space<semaphore_mem>>
      %dma_start3A = arith.constant 0 : i32
      %dma_start3A_28 = tpu.memref_slice %arg3[%arg0, %mul3A_0, %dma_start3A] : memref<2x10240x16xf32, #tpu.memory_space<hbm>> -> memref<1x640x16xf32, #tpu.memory_space<hbm>>
      %dma_start3A_29 = tpu.memref_squeeze %dma_start3A_28 : memref<1x640x16xf32, #tpu.memory_space<hbm>> -> memref<640x16xf32, #tpu.memory_space<hbm>>
      %dma_start3A_30 = arith.constant 0 : i32
      %dma_start3A_31 = tpu.memref_slice %arg6[%mul3A_0, %dma_start3A_30] : memref<10240x16xf32, #tpu.memory_space<vmem_shared>> -> memref<640x16xf32, #tpu.memory_space<vmem_shared>>
      tpu.enqueue_dma source(%dma_start3A_31 : memref<640x16xf32, #tpu.memory_space<vmem_shared>>) target(%dma_start3A_29 : memref<640x16xf32, #tpu.memory_space<hbm>>) target_semaphore(%run_scoped3A : memref<!tpu.dma_semaphore, #tpu.memory_space<semaphore_mem>>)
      %dma_wait3A = arith.constant 0 : i32
      %dma_wait3A_32 = tpu.memref_slice %arg3[%arg0, %mul3A_0, %dma_wait3A] : memref<2x10240x16xf32, #tpu.memory_space<hbm>> -> memref<1x640x16xf32, #tpu.memory_space<hbm>>
      %dma_wait3A_33 = tpu.memref_squeeze %dma_wait3A_32 : memref<1x640x16xf32, #tpu.memory_space<hbm>> -> memref<640x16xf32, #tpu.memory_space<hbm>>
      %dma_wait3A_34 = arith.constant 0 : i32
      %dma_wait3A_35 = tpu.memref_slice %arg6[%mul3A_0, %dma_wait3A_34] : memref<10240x16xf32, #tpu.memory_space<vmem_shared>> -> memref<640x16xf32, #tpu.memory_space<vmem_shared>>
      tpu.wait_dma2 semaphore(%run_scoped3A : memref<!tpu.dma_semaphore, #tpu.memory_space<semaphore_mem>>) src(%dma_wait3A_35 : memref<640x16xf32, #tpu.memory_space<vmem_shared>>) dst(%dma_wait3A_33 : memref<640x16xf32, #tpu.memory_space<hbm>>)
      tpu.yield
    }) : () -> ()
    return
  }
}

#map = affine_map<(d0, d1) -> (0, 0)>
#map1 = affine_map<(d0, d1) -> (0, 0, 0)>
module attributes {stable_mosaic.version = 14 : i64} {
  func.func @_sc_agg_body(%arg0: i32, %arg1: i32, %arg2: memref<10000x128xf32, #tpu.memory_space<hbm>>, %arg3: memref<5120x64xi32, #tpu.memory_space<hbm>>, %arg4: memref<5120x64xi32, #tpu.memory_space<hbm>>, %arg5: memref<2x10240x64xf32, #tpu.memory_space<hbm>>, %arg6: memref<320x64xi32, #tpu.memory_space<vmem>>, %arg7: memref<320x64xi32, #tpu.memory_space<vmem>>, %arg8: memref<64x64xf32, #tpu.memory_space<vmem>>, %arg9: memref<64x64xf32, #tpu.memory_space<vmem>>, %arg10: memref<10240x64xf32, #tpu.memory_space<vmem_shared>>, %arg11: memref<10000x64xf32, #tpu.memory_space<vmem_shared>>, %arg12: memref<!tpu.dma_semaphore, #tpu.memory_space<semaphore_mem>>, %arg13: memref<!tpu.dma_semaphore, #tpu.memory_space<semaphore_mem>>) attributes {dimension_semantics = [#tpu.dimension_semantics<core_parallel>, #tpu.dimension_semantics<subcore_parallel>], iteration_bounds = array<i64: 2, 16>, scalar_prefetch = 0 : i64, scratch_operands = 8 : i64, tpu.core_type = #tpu.core_type<sc_vector_subcore>, window_params = [{transform_indices = #map}, {transform_indices = #map}, {transform_indices = #map}, {transform_indices = #map1}]} {
    %mul3A = arith.constant 640 : i32
    %mul3A_0 = arith.muli %arg1, %mul3A : i32
    %scan3A = arith.constant 0 : i32
    %scan3A_1 = arith.constant 64 : i32
    %scan3A_2 = arith.addi %scan3A, %scan3A_1 : i32
    %scan3A_3 = arith.constant 1 : i32
    scf.for %scan3A_55 = %scan3A to %scan3A_2 step %scan3A_3  : i32 {
      %mul3A_56 = arith.constant 1 : i32
      %mul3A_57 = arith.muli %scan3A_55, %mul3A_56 : i32
      %add3A = arith.constant 0 : i32
      %add3A_58 = arith.addi %add3A, %mul3A_57 : i32
      %scan3A_59 = arith.constant 0 : i32
      %scan3A_60 = arith.constant 4 : i32
      %scan3A_61 = arith.addi %scan3A_59, %scan3A_60 : i32
      %scan3A_62 = arith.constant 1 : i32
      scf.for %scan3A_64 = %scan3A_59 to %scan3A_61 step %scan3A_62  : i32 {
        %mul3A_65 = arith.constant 16 : i32
        %mul3A_66 = arith.muli %scan3A_64, %mul3A_65 : i32
        %add3A_67 = arith.constant 0 : i32
        %add3A_68 = arith.addi %add3A_67, %mul3A_66 : i32
        %broadcast_in_dim3A = arith.constant 0.000000e+00 : f32
        %broadcast_in_dim3A_69 = vector.broadcast %broadcast_in_dim3A : f32 to vector<16xf32>
        %swap3A = arith.index_cast %add3A_58 : i32 to index
        %swap3A_70 = arith.index_cast %add3A_68 : i32 to index
        %swap3A_71 = tpu.vector_load %arg8[%swap3A, %swap3A_70] {strides = array<i32>} : memref<64x64xf32, #tpu.memory_space<vmem>>, vector<1x16xf32>,
        %swap3A_72 = vector.shape_cast %swap3A_71 : vector<1x16xf32> to vector<16xf32>
        %swap3A_73 = vector.shape_cast %broadcast_in_dim3A_69 : vector<16xf32> to vector<1x16xf32>
        tpu.vector_store %arg8[%swap3A, %swap3A_70], %swap3A_73 {strides = array<i32>} : memref<64x64xf32, #tpu.memory_space<vmem>>, vector<1x16xf32>,
      }
      %scan3A_63 = arith.constant 4 : i32
    }
    %scan3A_4 = arith.constant 64 : i32
    %scan3A_5 = arith.constant 0 : i32
    %scan3A_6 = arith.constant 10 : i32
    %scan3A_7 = arith.addi %scan3A_5, %scan3A_6 : i32
    %scan3A_8 = arith.constant 1 : i32
    scf.for %scan3A_55 = %scan3A_5 to %scan3A_7 step %scan3A_8  : i32 {
      %mul3A_56 = arith.constant 64 : i32
      %mul3A_57 = arith.muli %scan3A_55, %mul3A_56 : i32
      %add3A = arith.constant 0 : i32
      %add3A_58 = arith.addi %add3A, %mul3A_57 : i32
      %add3A_59 = arith.addi %mul3A_0, %add3A_58 : i32
      "tpu.region"() ({
        %run_scoped3A_60 = tpu.sem_alloc : memref<!tpu.dma_semaphore, #tpu.memory_space<semaphore_mem>>
        %dma_start3A_61 = arith.constant 0 : i32
        %dma_start3A_62 = tpu.memref_slice %arg10[%add3A_59, %dma_start3A_61] : memref<10240x64xf32, #tpu.memory_space<vmem_shared>> -> memref<64x64xf32, #tpu.memory_space<vmem_shared>>
        %dma_start3A_63 = arith.constant 0 : i32
        %dma_start3A_64 = tpu.memref_slice %arg10[%add3A_59, %dma_start3A_63] : memref<10240x64xf32, #tpu.memory_space<vmem_shared>> -> memref<64x64xf32, #tpu.memory_space<vmem_shared>>
        tpu.enqueue_dma source(%arg8 : memref<64x64xf32, #tpu.memory_space<vmem>>) target(%dma_start3A_64 : memref<64x64xf32, #tpu.memory_space<vmem_shared>>) target_semaphore(%run_scoped3A_60 : memref<!tpu.dma_semaphore, #tpu.memory_space<semaphore_mem>>)
        %dma_wait3A_65 = arith.constant 0 : i32
        %dma_wait3A_66 = tpu.memref_slice %arg10[%add3A_59, %dma_wait3A_65] : memref<10240x64xf32, #tpu.memory_space<vmem_shared>> -> memref<64x64xf32, #tpu.memory_space<vmem_shared>>
        %dma_wait3A_67 = arith.constant 0 : i32
        %dma_wait3A_68 = tpu.memref_slice %arg10[%add3A_59, %dma_wait3A_67] : memref<10240x64xf32, #tpu.memory_space<vmem_shared>> -> memref<64x64xf32, #tpu.memory_space<vmem_shared>>
        tpu.wait_dma2 semaphore(%run_scoped3A_60 : memref<!tpu.dma_semaphore, #tpu.memory_space<semaphore_mem>>) src(%arg8 : memref<64x64xf32, #tpu.memory_space<vmem>>) dst(%dma_wait3A_68 : memref<64x64xf32, #tpu.memory_space<vmem_shared>>)
        tpu.yield
      }) : () -> ()
    }
    %scan3A_9 = arith.constant 10 : i32
    %mul3A_10 = arith.constant 624 : i32
    %mul3A_11 = arith.muli %arg1, %mul3A_10 : i32
    %mul3A_12 = arith.constant 64 : i32
    %mul3A_13 = arith.muli %arg0, %mul3A_12 : i32
    %mul3A_14 = arith.constant 624 : i32
    %mul3A_15 = arith.muli %arg1, %mul3A_14 : i32
    "tpu.region"() ({
      %run_scoped3A_55 = tpu.sem_alloc : memref<!tpu.dma_semaphore, #tpu.memory_space<semaphore_mem>>
      %dma_start3A_56 = arith.constant 0 : i32
      %dma_start3A_57 = tpu.memref_slice %arg11[%mul3A_15, %dma_start3A_56] : memref<10000x64xf32, #tpu.memory_space<vmem_shared>> -> memref<624x64xf32, #tpu.memory_space<vmem_shared>>
      %dma_start3A_58 = tpu.memref_slice %arg2[%mul3A_11, %mul3A_13] : memref<10000x128xf32, #tpu.memory_space<hbm>> -> memref<624x64xf32, #tpu.memory_space<hbm>>
      tpu.enqueue_dma source(%dma_start3A_58 : memref<624x64xf32, #tpu.memory_space<hbm>>) target(%dma_start3A_57 : memref<624x64xf32, #tpu.memory_space<vmem_shared>>) target_semaphore(%run_scoped3A_55 : memref<!tpu.dma_semaphore, #tpu.memory_space<semaphore_mem>>)
      %dma_wait3A_59 = arith.constant 0 : i32
      %dma_wait3A_60 = tpu.memref_slice %arg11[%mul3A_15, %dma_wait3A_59] : memref<10000x64xf32, #tpu.memory_space<vmem_shared>> -> memref<624x64xf32, #tpu.memory_space<vmem_shared>>
      %dma_wait3A_61 = tpu.memref_slice %arg2[%mul3A_11, %mul3A_13] : memref<10000x128xf32, #tpu.memory_space<hbm>> -> memref<624x64xf32, #tpu.memory_space<hbm>>
      tpu.wait_dma2 semaphore(%run_scoped3A_55 : memref<!tpu.dma_semaphore, #tpu.memory_space<semaphore_mem>>) src(%dma_wait3A_61 : memref<624x64xf32, #tpu.memory_space<hbm>>) dst(%dma_wait3A_60 : memref<624x64xf32, #tpu.memory_space<vmem_shared>>)
      tpu.yield
    }) : () -> ()
    %eq3A = arith.constant 15 : i32
    %eq3A_16 = arith.cmpi eq, %arg1, %eq3A : i32
    %convert_element_type3A = arith.extui %eq3A_16 : i1 to i32
    %cond3A = arith.constant 0 : i32
    %cond3A_17 = arith.cmpi ne, %convert_element_type3A, %cond3A : i32
    scf.if %cond3A_17 {
      %mul3A_55 = arith.constant 64 : i32
      %mul3A_56 = arith.muli %arg0, %mul3A_55 : i32
      "tpu.region"() ({
        %run_scoped3A_57 = tpu.sem_alloc : memref<!tpu.dma_semaphore, #tpu.memory_space<semaphore_mem>>
        %dma_start3A_58 = arith.constant 9984 : i32
        %dma_start3A_59 = arith.constant 0 : i32
        %dma_start3A_60 = tpu.memref_slice %arg11[%dma_start3A_58, %dma_start3A_59] : memref<10000x64xf32, #tpu.memory_space<vmem_shared>> -> memref<16x64xf32, #tpu.memory_space<vmem_shared>>
        %dma_start3A_61 = arith.constant 9984 : i32
        %dma_start3A_62 = tpu.memref_slice %arg2[%dma_start3A_61, %mul3A_56] : memref<10000x128xf32, #tpu.memory_space<hbm>> -> memref<16x64xf32, #tpu.memory_space<hbm>>
        tpu.enqueue_dma source(%dma_start3A_62 : memref<16x64xf32, #tpu.memory_space<hbm>>) target(%dma_start3A_60 : memref<16x64xf32, #tpu.memory_space<vmem_shared>>) target_semaphore(%run_scoped3A_57 : memref<!tpu.dma_semaphore, #tpu.memory_space<semaphore_mem>>)
        %dma_wait3A_63 = arith.constant 9984 : i32
        %dma_wait3A_64 = arith.constant 0 : i32
        %dma_wait3A_65 = tpu.memref_slice %arg11[%dma_wait3A_63, %dma_wait3A_64] : memref<10000x64xf32, #tpu.memory_space<vmem_shared>> -> memref<16x64xf32, #tpu.memory_space<vmem_shared>>
        %dma_wait3A_66 = arith.constant 9984 : i32
        %dma_wait3A_67 = tpu.memref_slice %arg2[%dma_wait3A_66, %mul3A_56] : memref<10000x128xf32, #tpu.memory_space<hbm>> -> memref<16x64xf32, #tpu.memory_space<hbm>>
        tpu.wait_dma2 semaphore(%run_scoped3A_57 : memref<!tpu.dma_semaphore, #tpu.memory_space<semaphore_mem>>) src(%dma_wait3A_67 : memref<16x64xf32, #tpu.memory_space<hbm>>) dst(%dma_wait3A_65 : memref<16x64xf32, #tpu.memory_space<vmem_shared>>)
        tpu.yield
      }) : () -> ()
    } else {
    }
    %mul3A_18 = arith.constant 320 : i32
    %mul3A_19 = arith.muli %arg1, %mul3A_18 : i32
    "tpu.region"() ({
      %run_scoped3A_55 = tpu.sem_alloc : memref<!tpu.dma_semaphore, #tpu.memory_space<semaphore_mem>>
      %dma_start3A_56 = arith.constant 0 : i32
      %dma_start3A_57 = tpu.memref_slice %arg3[%mul3A_19, %dma_start3A_56] : memref<5120x64xi32, #tpu.memory_space<hbm>> -> memref<320x64xi32, #tpu.memory_space<hbm>>
      %dma_start3A_58 = arith.constant 0 : i32
      %dma_start3A_59 = tpu.memref_slice %arg3[%mul3A_19, %dma_start3A_58] : memref<5120x64xi32, #tpu.memory_space<hbm>> -> memref<320x64xi32, #tpu.memory_space<hbm>>
      tpu.enqueue_dma source(%dma_start3A_59 : memref<320x64xi32, #tpu.memory_space<hbm>>) target(%arg6 : memref<320x64xi32, #tpu.memory_space<vmem>>) target_semaphore(%run_scoped3A_55 : memref<!tpu.dma_semaphore, #tpu.memory_space<semaphore_mem>>)
      %dma_wait3A_60 = arith.constant 0 : i32
      %dma_wait3A_61 = tpu.memref_slice %arg3[%mul3A_19, %dma_wait3A_60] : memref<5120x64xi32, #tpu.memory_space<hbm>> -> memref<320x64xi32, #tpu.memory_space<hbm>>
      %dma_wait3A_62 = arith.constant 0 : i32
      %dma_wait3A_63 = tpu.memref_slice %arg3[%mul3A_19, %dma_wait3A_62] : memref<5120x64xi32, #tpu.memory_space<hbm>> -> memref<320x64xi32, #tpu.memory_space<hbm>>
      tpu.wait_dma2 semaphore(%run_scoped3A_55 : memref<!tpu.dma_semaphore, #tpu.memory_space<semaphore_mem>>) src(%dma_wait3A_63 : memref<320x64xi32, #tpu.memory_space<hbm>>) dst(%arg6 : memref<320x64xi32, #tpu.memory_space<vmem>>)
      tpu.yield
    }) : () -> ()
    %mul3A_20 = arith.constant 320 : i32
    %mul3A_21 = arith.muli %arg1, %mul3A_20 : i32
    "tpu.region"() ({
      %run_scoped3A_55 = tpu.sem_alloc : memref<!tpu.dma_semaphore, #tpu.memory_space<semaphore_mem>>
      %dma_start3A_56 = arith.constant 0 : i32
      %dma_start3A_57 = tpu.memref_slice %arg4[%mul3A_21, %dma_start3A_56] : memref<5120x64xi32, #tpu.memory_space<hbm>> -> memref<320x64xi32, #tpu.memory_space<hbm>>
      %dma_start3A_58 = arith.constant 0 : i32
      %dma_start3A_59 = tpu.memref_slice %arg4[%mul3A_21, %dma_start3A_58] : memref<5120x64xi32, #tpu.memory_space<hbm>> -> memref<320x64xi32, #tpu.memory_space<hbm>>
      tpu.enqueue_dma source(%dma_start3A_59 : memref<320x64xi32, #tpu.memory_space<hbm>>) target(%arg7 : memref<320x64xi32, #tpu.memory_space<vmem>>) target_semaphore(%run_scoped3A_55 : memref<!tpu.dma_semaphore, #tpu.memory_space<semaphore_mem>>)
      %dma_wait3A_60 = arith.constant 0 : i32
      %dma_wait3A_61 = tpu.memref_slice %arg4[%mul3A_21, %dma_wait3A_60] : memref<5120x64xi32, #tpu.memory_space<hbm>> -> memref<320x64xi32, #tpu.memory_space<hbm>>
      %dma_wait3A_62 = arith.constant 0 : i32
      %dma_wait3A_63 = tpu.memref_slice %arg4[%mul3A_21, %dma_wait3A_62] : memref<5120x64xi32, #tpu.memory_space<hbm>> -> memref<320x64xi32, #tpu.memory_space<hbm>>
      tpu.wait_dma2 semaphore(%run_scoped3A_55 : memref<!tpu.dma_semaphore, #tpu.memory_space<semaphore_mem>>) src(%dma_wait3A_63 : memref<320x64xi32, #tpu.memory_space<hbm>>) dst(%arg7 : memref<320x64xi32, #tpu.memory_space<vmem>>)
      tpu.yield
    }) : () -> ()
    %barrier3A = arith.constant 0 : index
    tpu.barrier barrier_id(%barrier3A)
    %dma_start3A = arith.constant 0 : i32
    %dma_start3A_22 = arith.constant 0 : i32
    %dma_start3A_23 = tpu.memref_slice %arg6[%dma_start3A, %dma_start3A_22] : memref<320x64xi32, #tpu.memory_space<vmem>> -> memref<1x64xi32, #tpu.memory_space<vmem>>
    %dma_start3A_24 = tpu.memref_squeeze %dma_start3A_23 : memref<1x64xi32, #tpu.memory_space<vmem>> -> memref<64xi32, #tpu.memory_space<vmem>>
    %dma_start3A_25 = arith.constant 0 : i32
    %dma_start3A_26 = arith.constant 0 : i32
    %dma_start3A_27 = tpu.memref_slice %arg11[%dma_start3A_25, %dma_start3A_26] : memref<10000x64xf32, #tpu.memory_space<vmem_shared>> -> memref<10000x64xf32, #tpu.memory_space<vmem_shared>>
    tpu.enqueue_indirect_dma source(%dma_start3A_27 : memref<10000x64xf32, #tpu.memory_space<vmem_shared>>) target(%arg8 : memref<64x64xf32, #tpu.memory_space<vmem>>) offsets(%dma_start3A_24 : memref<64xi32, #tpu.memory_space<vmem>>) semaphore(%arg12 : memref<!tpu.dma_semaphore, #tpu.memory_space<semaphore_mem>>)
    %scan3A_28 = arith.constant 0 : i32
    %scan3A_29 = arith.constant 159 : i32
    %scan3A_30 = arith.addi %scan3A_28, %scan3A_29 : i32
    %scan3A_31 = arith.constant 1 : i32
    scf.for %scan3A_55 = %scan3A_28 to %scan3A_30 step %scan3A_31  : i32 {
      %mul3A_56 = arith.constant 2 : i32
      %mul3A_57 = arith.muli %scan3A_55, %mul3A_56 : i32
      %add3A = arith.constant 0 : i32
      %add3A_58 = arith.addi %add3A, %mul3A_57 : i32
      %add3A_59 = arith.constant 1 : i32
      %add3A_60 = arith.addi %add3A_58, %add3A_59 : i32
      %dma_start3A_61 = arith.constant 0 : i32
      %dma_start3A_62 = tpu.memref_slice %arg6[%add3A_60, %dma_start3A_61] : memref<320x64xi32, #tpu.memory_space<vmem>> -> memref<1x64xi32, #tpu.memory_space<vmem>>
      %dma_start3A_63 = tpu.memref_squeeze %dma_start3A_62 : memref<1x64xi32, #tpu.memory_space<vmem>> -> memref<64xi32, #tpu.memory_space<vmem>>
      %dma_start3A_64 = arith.constant 0 : i32
      %dma_start3A_65 = arith.constant 0 : i32
      %dma_start3A_66 = tpu.memref_slice %arg11[%dma_start3A_64, %dma_start3A_65] : memref<10000x64xf32, #tpu.memory_space<vmem_shared>> -> memref<10000x64xf32, #tpu.memory_space<vmem_shared>>
      tpu.enqueue_indirect_dma source(%dma_start3A_66 : memref<10000x64xf32, #tpu.memory_space<vmem_shared>>) target(%arg9 : memref<64x64xf32, #tpu.memory_space<vmem>>) offsets(%dma_start3A_63 : memref<64xi32, #tpu.memory_space<vmem>>) semaphore(%arg13 : memref<!tpu.dma_semaphore, #tpu.memory_space<semaphore_mem>>)
      %dma_wait3A_67 = arith.constant 0 : i32
      %dma_wait3A_68 = arith.constant 0 : i32
      %dma_wait3A_69 = tpu.memref_slice %arg6[%dma_wait3A_67, %dma_wait3A_68] : memref<320x64xi32, #tpu.memory_space<vmem>> -> memref<1x64xi32, #tpu.memory_space<vmem>>
      %dma_wait3A_70 = tpu.memref_squeeze %dma_wait3A_69 : memref<1x64xi32, #tpu.memory_space<vmem>> -> memref<64xi32, #tpu.memory_space<vmem>>
      %dma_wait3A_71 = arith.constant 0 : i32
      %dma_wait3A_72 = arith.constant 0 : i32
      %dma_wait3A_73 = tpu.memref_slice %arg11[%dma_wait3A_71, %dma_wait3A_72] : memref<10000x64xf32, #tpu.memory_space<vmem_shared>> -> memref<10000x64xf32, #tpu.memory_space<vmem_shared>>
      tpu.wait_indirect_dma semaphore(%arg12 : memref<!tpu.dma_semaphore, #tpu.memory_space<semaphore_mem>>) src(%dma_wait3A_73 : memref<10000x64xf32, #tpu.memory_space<vmem_shared>>) dst(%arg8 : memref<64x64xf32, #tpu.memory_space<vmem>>)
      "tpu.region"() ({
        %run_scoped3A_91 = tpu.sem_alloc : memref<!tpu.dma_semaphore, #tpu.memory_space<semaphore_mem>>
        %dma_start3A_92 = arith.constant 0 : i32
        %dma_start3A_93 = tpu.memref_slice %arg7[%add3A_58, %dma_start3A_92] : memref<320x64xi32, #tpu.memory_space<vmem>> -> memref<1x64xi32, #tpu.memory_space<vmem>>
        %dma_start3A_94 = tpu.memref_squeeze %dma_start3A_93 : memref<1x64xi32, #tpu.memory_space<vmem>> -> memref<64xi32, #tpu.memory_space<vmem>>
        %dma_start3A_95 = arith.constant 0 : i32
        %dma_start3A_96 = arith.constant 0 : i32
        %dma_start3A_97 = tpu.memref_slice %arg10[%dma_start3A_95, %dma_start3A_96] : memref<10240x64xf32, #tpu.memory_space<vmem_shared>> -> memref<10240x64xf32, #tpu.memory_space<vmem_shared>>
        tpu.enqueue_indirect_dma source(%arg8 : memref<64x64xf32, #tpu.memory_space<vmem>>) target(%dma_start3A_97 : memref<10240x64xf32, #tpu.memory_space<vmem_shared>>) offsets(%dma_start3A_94 : memref<64xi32, #tpu.memory_space<vmem>>) semaphore(%run_scoped3A_91 : memref<!tpu.dma_semaphore, #tpu.memory_space<semaphore_mem>>) {add = true}
        %dma_wait3A_98 = arith.constant 0 : i32
        %dma_wait3A_99 = tpu.memref_slice %arg7[%add3A_58, %dma_wait3A_98] : memref<320x64xi32, #tpu.memory_space<vmem>> -> memref<1x64xi32, #tpu.memory_space<vmem>>
        %dma_wait3A_100 = tpu.memref_squeeze %dma_wait3A_99 : memref<1x64xi32, #tpu.memory_space<vmem>> -> memref<64xi32, #tpu.memory_space<vmem>>
        %dma_wait3A_101 = arith.constant 0 : i32
        %dma_wait3A_102 = arith.constant 0 : i32
        %dma_wait3A_103 = tpu.memref_slice %arg10[%dma_wait3A_101, %dma_wait3A_102] : memref<10240x64xf32, #tpu.memory_space<vmem_shared>> -> memref<10240x64xf32, #tpu.memory_space<vmem_shared>>
        tpu.wait_indirect_dma semaphore(%run_scoped3A_91 : memref<!tpu.dma_semaphore, #tpu.memory_space<semaphore_mem>>) src(%arg8 : memref<64x64xf32, #tpu.memory_space<vmem>>) dst(%dma_wait3A_103 : memref<10240x64xf32, #tpu.memory_space<vmem_shared>>)
        tpu.yield
      }) : () -> ()
      %add3A_74 = arith.constant 2 : i32
      %add3A_75 = arith.addi %add3A_58, %add3A_74 : i32
      %dma_start3A_76 = arith.constant 0 : i32
      %dma_start3A_77 = tpu.memref_slice %arg6[%add3A_75, %dma_start3A_76] : memref<320x64xi32, #tpu.memory_space<vmem>> -> memref<1x64xi32, #tpu.memory_space<vmem>>
      %dma_start3A_78 = tpu.memref_squeeze %dma_start3A_77 : memref<1x64xi32, #tpu.memory_space<vmem>> -> memref<64xi32, #tpu.memory_space<vmem>>
      %dma_start3A_79 = arith.constant 0 : i32
      %dma_start3A_80 = arith.constant 0 : i32
      %dma_start3A_81 = tpu.memref_slice %arg11[%dma_start3A_79, %dma_start3A_80] : memref<10000x64xf32, #tpu.memory_space<vmem_shared>> -> memref<10000x64xf32, #tpu.memory_space<vmem_shared>>
      tpu.enqueue_indirect_dma source(%dma_start3A_81 : memref<10000x64xf32, #tpu.memory_space<vmem_shared>>) target(%arg8 : memref<64x64xf32, #tpu.memory_space<vmem>>) offsets(%dma_start3A_78 : memref<64xi32, #tpu.memory_space<vmem>>) semaphore(%arg12 : memref<!tpu.dma_semaphore, #tpu.memory_space<semaphore_mem>>)
      %dma_wait3A_82 = arith.constant 0 : i32
      %dma_wait3A_83 = arith.constant 0 : i32
      %dma_wait3A_84 = tpu.memref_slice %arg6[%dma_wait3A_82, %dma_wait3A_83] : memref<320x64xi32, #tpu.memory_space<vmem>> -> memref<1x64xi32, #tpu.memory_space<vmem>>
      %dma_wait3A_85 = tpu.memref_squeeze %dma_wait3A_84 : memref<1x64xi32, #tpu.memory_space<vmem>> -> memref<64xi32, #tpu.memory_space<vmem>>
      %dma_wait3A_86 = arith.constant 0 : i32
      %dma_wait3A_87 = arith.constant 0 : i32
      %dma_wait3A_88 = tpu.memref_slice %arg11[%dma_wait3A_86, %dma_wait3A_87] : memref<10000x64xf32, #tpu.memory_space<vmem_shared>> -> memref<10000x64xf32, #tpu.memory_space<vmem_shared>>
      tpu.wait_indirect_dma semaphore(%arg13 : memref<!tpu.dma_semaphore, #tpu.memory_space<semaphore_mem>>) src(%dma_wait3A_88 : memref<10000x64xf32, #tpu.memory_space<vmem_shared>>) dst(%arg9 : memref<64x64xf32, #tpu.memory_space<vmem>>)
      %add3A_89 = arith.constant 1 : i32
      %add3A_90 = arith.addi %add3A_58, %add3A_89 : i32
      "tpu.region"() ({
        %run_scoped3A_91 = tpu.sem_alloc : memref<!tpu.dma_semaphore, #tpu.memory_space<semaphore_mem>>
        %dma_start3A_92 = arith.constant 0 : i32
        %dma_start3A_93 = tpu.memref_slice %arg7[%add3A_90, %dma_start3A_92] : memref<320x64xi32, #tpu.memory_space<vmem>> -> memref<1x64xi32, #tpu.memory_space<vmem>>
        %dma_start3A_94 = tpu.memref_squeeze %dma_start3A_93 : memref<1x64xi32, #tpu.memory_space<vmem>> -> memref<64xi32, #tpu.memory_space<vmem>>
        %dma_start3A_95 = arith.constant 0 : i32
        %dma_start3A_96 = arith.constant 0 : i32
        %dma_start3A_97 = tpu.memref_slice %arg10[%dma_start3A_95, %dma_start3A_96] : memref<10240x64xf32, #tpu.memory_space<vmem_shared>> -> memref<10240x64xf32, #tpu.memory_space<vmem_shared>>
        tpu.enqueue_indirect_dma source(%arg9 : memref<64x64xf32, #tpu.memory_space<vmem>>) target(%dma_start3A_97 : memref<10240x64xf32, #tpu.memory_space<vmem_shared>>) offsets(%dma_start3A_94 : memref<64xi32, #tpu.memory_space<vmem>>) semaphore(%run_scoped3A_91 : memref<!tpu.dma_semaphore, #tpu.memory_space<semaphore_mem>>) {add = true}
        %dma_wait3A_98 = arith.constant 0 : i32
        %dma_wait3A_99 = tpu.memref_slice %arg7[%add3A_90, %dma_wait3A_98] : memref<320x64xi32, #tpu.memory_space<vmem>> -> memref<1x64xi32, #tpu.memory_space<vmem>>
        %dma_wait3A_100 = tpu.memref_squeeze %dma_wait3A_99 : memref<1x64xi32, #tpu.memory_space<vmem>> -> memref<64xi32, #tpu.memory_space<vmem>>
        %dma_wait3A_101 = arith.constant 0 : i32
        %dma_wait3A_102 = arith.constant 0 : i32
        %dma_wait3A_103 = tpu.memref_slice %arg10[%dma_wait3A_101, %dma_wait3A_102] : memref<10240x64xf32, #tpu.memory_space<vmem_shared>> -> memref<10240x64xf32, #tpu.memory_space<vmem_shared>>
        tpu.wait_indirect_dma semaphore(%run_scoped3A_91 : memref<!tpu.dma_semaphore, #tpu.memory_space<semaphore_mem>>) src(%arg9 : memref<64x64xf32, #tpu.memory_space<vmem>>) dst(%dma_wait3A_103 : memref<10240x64xf32, #tpu.memory_space<vmem_shared>>)
        tpu.yield
      }) : () -> ()
    }
    %scan3A_32 = arith.constant 159 : i32
    %dma_start3A_33 = arith.constant 319 : i32
    %dma_start3A_34 = arith.constant 0 : i32
    %dma_start3A_35 = tpu.memref_slice %arg6[%dma_start3A_33, %dma_start3A_34] : memref<320x64xi32, #tpu.memory_space<vmem>> -> memref<1x64xi32, #tpu.memory_space<vmem>>
    %dma_start3A_36 = tpu.memref_squeeze %dma_start3A_35 : memref<1x64xi32, #tpu.memory_space<vmem>> -> memref<64xi32, #tpu.memory_space<vmem>>
    %dma_start3A_37 = arith.constant 0 : i32
    %dma_start3A_38 = arith.constant 0 : i32
    %dma_start3A_39 = tpu.memref_slice %arg11[%dma_start3A_37, %dma_start3A_38] : memref<10000x64xf32, #tpu.memory_space<vmem_shared>> -> memref<10000x64xf32, #tpu.memory_space<vmem_shared>>
    tpu.enqueue_indirect_dma source(%dma_start3A_39 : memref<10000x64xf32, #tpu.memory_space<vmem_shared>>) target(%arg9 : memref<64x64xf32, #tpu.memory_space<vmem>>) offsets(%dma_start3A_36 : memref<64xi32, #tpu.memory_space<vmem>>) semaphore(%arg13 : memref<!tpu.dma_semaphore, #tpu.memory_space<semaphore_mem>>)
    %dma_wait3A = arith.constant 0 : i32
    %dma_wait3A_40 = arith.constant 0 : i32
    %dma_wait3A_41 = tpu.memref_slice %arg6[%dma_wait3A, %dma_wait3A_40] : memref<320x64xi32, #tpu.memory_space<vmem>> -> memref<1x64xi32, #tpu.memory_space<vmem>>
    %dma_wait3A_42 = tpu.memref_squeeze %dma_wait3A_41 : memref<1x64xi32, #tpu.memory_space<vmem>> -> memref<64xi32, #tpu.memory_space<vmem>>
    %dma_wait3A_43 = arith.constant 0 : i32
    %dma_wait3A_44 = arith.constant 0 : i32
    %dma_wait3A_45 = tpu.memref_slice %arg11[%dma_wait3A_43, %dma_wait3A_44] : memref<10000x64xf32, #tpu.memory_space<vmem_shared>> -> memref<10000x64xf32, #tpu.memory_space<vmem_shared>>
    tpu.wait_indirect_dma semaphore(%arg12 : memref<!tpu.dma_semaphore, #tpu.memory_space<semaphore_mem>>) src(%dma_wait3A_45 : memref<10000x64xf32, #tpu.memory_space<vmem_shared>>) dst(%arg8 : memref<64x64xf32, #tpu.memory_space<vmem>>)
    %run_scoped3A = arith.constant 318 : i32
    "tpu.region"() ({
      %run_scoped3A_55 = tpu.sem_alloc : memref<!tpu.dma_semaphore, #tpu.memory_space<semaphore_mem>>
      %dma_start3A_56 = arith.constant 0 : i32
      %dma_start3A_57 = tpu.memref_slice %arg7[%run_scoped3A, %dma_start3A_56] : memref<320x64xi32, #tpu.memory_space<vmem>> -> memref<1x64xi32, #tpu.memory_space<vmem>>
      %dma_start3A_58 = tpu.memref_squeeze %dma_start3A_57 : memref<1x64xi32, #tpu.memory_space<vmem>> -> memref<64xi32, #tpu.memory_space<vmem>>
      %dma_start3A_59 = arith.constant 0 : i32
      %dma_start3A_60 = arith.constant 0 : i32
      %dma_start3A_61 = tpu.memref_slice %arg10[%dma_start3A_59, %dma_start3A_60] : memref<10240x64xf32, #tpu.memory_space<vmem_shared>> -> memref<10240x64xf32, #tpu.memory_space<vmem_shared>>
      tpu.enqueue_indirect_dma source(%arg8 : memref<64x64xf32, #tpu.memory_space<vmem>>) target(%dma_start3A_61 : memref<10240x64xf32, #tpu.memory_space<vmem_shared>>) offsets(%dma_start3A_58 : memref<64xi32, #tpu.memory_space<vmem>>) semaphore(%run_scoped3A_55 : memref<!tpu.dma_semaphore, #tpu.memory_space<semaphore_mem>>) {add = true}
      %dma_wait3A_62 = arith.constant 0 : i32
      %dma_wait3A_63 = tpu.memref_slice %arg7[%run_scoped3A, %dma_wait3A_62] : memref<320x64xi32, #tpu.memory_space<vmem>> -> memref<1x64xi32, #tpu.memory_space<vmem>>
      %dma_wait3A_64 = tpu.memref_squeeze %dma_wait3A_63 : memref<1x64xi32, #tpu.memory_space<vmem>> -> memref<64xi32, #tpu.memory_space<vmem>>
      %dma_wait3A_65 = arith.constant 0 : i32
      %dma_wait3A_66 = arith.constant 0 : i32
      %dma_wait3A_67 = tpu.memref_slice %arg10[%dma_wait3A_65, %dma_wait3A_66] : memref<10240x64xf32, #tpu.memory_space<vmem_shared>> -> memref<10240x64xf32, #tpu.memory_space<vmem_shared>>
      tpu.wait_indirect_dma semaphore(%run_scoped3A_55 : memref<!tpu.dma_semaphore, #tpu.memory_space<semaphore_mem>>) src(%arg8 : memref<64x64xf32, #tpu.memory_space<vmem>>) dst(%dma_wait3A_67 : memref<10240x64xf32, #tpu.memory_space<vmem_shared>>)
      tpu.yield
    }) : () -> ()
    %dma_wait3A_46 = arith.constant 0 : i32
    %dma_wait3A_47 = arith.constant 0 : i32
    %dma_wait3A_48 = tpu.memref_slice %arg6[%dma_wait3A_46, %dma_wait3A_47] : memref<320x64xi32, #tpu.memory_space<vmem>> -> memref<1x64xi32, #tpu.memory_space<vmem>>
    %dma_wait3A_49 = tpu.memref_squeeze %dma_wait3A_48 : memref<1x64xi32, #tpu.memory_space<vmem>> -> memref<64xi32, #tpu.memory_space<vmem>>
    %dma_wait3A_50 = arith.constant 0 : i32
    %dma_wait3A_51 = arith.constant 0 : i32
    %dma_wait3A_52 = tpu.memref_slice %arg11[%dma_wait3A_50, %dma_wait3A_51] : memref<10000x64xf32, #tpu.memory_space<vmem_shared>> -> memref<10000x64xf32, #tpu.memory_space<vmem_shared>>
    tpu.wait_indirect_dma semaphore(%arg13 : memref<!tpu.dma_semaphore, #tpu.memory_space<semaphore_mem>>) src(%dma_wait3A_52 : memref<10000x64xf32, #tpu.memory_space<vmem_shared>>) dst(%arg9 : memref<64x64xf32, #tpu.memory_space<vmem>>)
    %run_scoped3A_53 = arith.constant 319 : i32
    "tpu.region"() ({
      %run_scoped3A_55 = tpu.sem_alloc : memref<!tpu.dma_semaphore, #tpu.memory_space<semaphore_mem>>
      %dma_start3A_56 = arith.constant 0 : i32
      %dma_start3A_57 = tpu.memref_slice %arg7[%run_scoped3A_53, %dma_start3A_56] : memref<320x64xi32, #tpu.memory_space<vmem>> -> memref<1x64xi32, #tpu.memory_space<vmem>>
      %dma_start3A_58 = tpu.memref_squeeze %dma_start3A_57 : memref<1x64xi32, #tpu.memory_space<vmem>> -> memref<64xi32, #tpu.memory_space<vmem>>
      %dma_start3A_59 = arith.constant 0 : i32
      %dma_start3A_60 = arith.constant 0 : i32
      %dma_start3A_61 = tpu.memref_slice %arg10[%dma_start3A_59, %dma_start3A_60] : memref<10240x64xf32, #tpu.memory_space<vmem_shared>> -> memref<10240x64xf32, #tpu.memory_space<vmem_shared>>
      tpu.enqueue_indirect_dma source(%arg9 : memref<64x64xf32, #tpu.memory_space<vmem>>) target(%dma_start3A_61 : memref<10240x64xf32, #tpu.memory_space<vmem_shared>>) offsets(%dma_start3A_58 : memref<64xi32, #tpu.memory_space<vmem>>) semaphore(%run_scoped3A_55 : memref<!tpu.dma_semaphore, #tpu.memory_space<semaphore_mem>>) {add = true}
      %dma_wait3A_62 = arith.constant 0 : i32
      %dma_wait3A_63 = tpu.memref_slice %arg7[%run_scoped3A_53, %dma_wait3A_62] : memref<320x64xi32, #tpu.memory_space<vmem>> -> memref<1x64xi32, #tpu.memory_space<vmem>>
      %dma_wait3A_64 = tpu.memref_squeeze %dma_wait3A_63 : memref<1x64xi32, #tpu.memory_space<vmem>> -> memref<64xi32, #tpu.memory_space<vmem>>
      %dma_wait3A_65 = arith.constant 0 : i32
      %dma_wait3A_66 = arith.constant 0 : i32
      %dma_wait3A_67 = tpu.memref_slice %arg10[%dma_wait3A_65, %dma_wait3A_66] : memref<10240x64xf32, #tpu.memory_space<vmem_shared>> -> memref<10240x64xf32, #tpu.memory_space<vmem_shared>>
      tpu.wait_indirect_dma semaphore(%run_scoped3A_55 : memref<!tpu.dma_semaphore, #tpu.memory_space<semaphore_mem>>) src(%arg9 : memref<64x64xf32, #tpu.memory_space<vmem>>) dst(%dma_wait3A_67 : memref<10240x64xf32, #tpu.memory_space<vmem_shared>>)
      tpu.yield
    }) : () -> ()
    %barrier3A_54 = arith.constant 0 : index
    tpu.barrier barrier_id(%barrier3A_54)
    "tpu.region"() ({
      %run_scoped3A_55 = tpu.sem_alloc : memref<!tpu.dma_semaphore, #tpu.memory_space<semaphore_mem>>
      %dma_start3A_56 = arith.constant 0 : i32
      %dma_start3A_57 = tpu.memref_slice %arg5[%arg0, %mul3A_0, %dma_start3A_56] : memref<2x10240x64xf32, #tpu.memory_space<hbm>> -> memref<1x640x64xf32, #tpu.memory_space<hbm>>
      %dma_start3A_58 = tpu.memref_squeeze %dma_start3A_57 : memref<1x640x64xf32, #tpu.memory_space<hbm>> -> memref<640x64xf32, #tpu.memory_space<hbm>>
      %dma_start3A_59 = arith.constant 0 : i32
      %dma_start3A_60 = tpu.memref_slice %arg10[%mul3A_0, %dma_start3A_59] : memref<10240x64xf32, #tpu.memory_space<vmem_shared>> -> memref<640x64xf32, #tpu.memory_space<vmem_shared>>
      tpu.enqueue_dma source(%dma_start3A_60 : memref<640x64xf32, #tpu.memory_space<vmem_shared>>) target(%dma_start3A_58 : memref<640x64xf32, #tpu.memory_space<hbm>>) target_semaphore(%run_scoped3A_55 : memref<!tpu.dma_semaphore, #tpu.memory_space<semaphore_mem>>)
      %dma_wait3A_61 = arith.constant 0 : i32
      %dma_wait3A_62 = tpu.memref_slice %arg5[%arg0, %mul3A_0, %dma_wait3A_61] : memref<2x10240x64xf32, #tpu.memory_space<hbm>> -> memref<1x640x64xf32, #tpu.memory_space<hbm>>
      %dma_wait3A_63 = tpu.memref_squeeze %dma_wait3A_62 : memref<1x640x64xf32, #tpu.memory_space<hbm>> -> memref<640x64xf32, #tpu.memory_space<hbm>>
      %dma_wait3A_64 = arith.constant 0 : i32
      %dma_wait3A_65 = tpu.memref_slice %arg10[%mul3A_0, %dma_wait3A_64] : memref<10240x64xf32, #tpu.memory_space<vmem_shared>> -> memref<640x64xf32, #tpu.memory_space<vmem_shared>>
      tpu.wait_dma2 semaphore(%run_scoped3A_55 : memref<!tpu.dma_semaphore, #tpu.memory_space<semaphore_mem>>) src(%dma_wait3A_65 : memref<640x64xf32, #tpu.memory_space<vmem_shared>>) dst(%dma_wait3A_63 : memref<640x64xf32, #tpu.memory_space<hbm>>)
      tpu.yield
    }) : () -> ()
    return
  }
}

module attributes {stable_mosaic.version = 14 : i64} {
  func.func @_tc_pre_body(%arg0: memref<10000x128xf32, #tpu.memory_space<vmem>>, %arg1: memref<128x128xf32, #tpu.memory_space<vmem>>, %arg2: memref<1x128xf32, #tpu.memory_space<vmem>>, %arg3: memref<10000x128xf32, #tpu.memory_space<vmem>>) attributes {dimension_semantics = [], scalar_prefetch = 0 : i64, scratch_operands = 0 : i64, tpu.core_type = #tpu.core_type<tc>} {
    %get3A = arith.constant 0 : index
    %get3A_0 = arith.constant 0 : index
    %get3A_1 = vector.load %arg0[%get3A, %get3A_0] : memref<10000x128xf32, #tpu.memory_space<vmem>>, vector<10000x128xf32>
    %get3A_2 = arith.constant 0 : index
    %get3A_3 = arith.constant 0 : index
    %get3A_4 = vector.load %arg1[%get3A_2, %get3A_3] : memref<128x128xf32, #tpu.memory_space<vmem>>, vector<128x128xf32>
    %dot_general3A = arith.constant dense<0.000000e+00> : vector<10000x128xf32>
    %dot_general3A_5 = tpu.matmul %get3A_1, %get3A_4, %dot_general3A {dimension_numbers = #tpu.dot_dimension_numbers<[1], [0], [0], [1], [0, 0, 1, 1], [], []>, transpose_lhs_hint = false} : vector<10000x128xf32>, vector<128x128xf32>, vector<10000x128xf32> -> vector<10000x128xf32>
    %get3A_6 = arith.constant 0 : index
    %get3A_7 = arith.constant 0 : index
    %get3A_8 = vector.load %arg2[%get3A_6, %get3A_7] : memref<1x128xf32, #tpu.memory_space<vmem>>, vector<1x128xf32>
    %add3A = vector.broadcast %get3A_8 : vector<1x128xf32> to vector<10000x128xf32>
    %add3A_9 = arith.addf %dot_general3A_5, %add3A : vector<10000x128xf32>
    %swap3A = arith.constant 0 : index
    %swap3A_10 = arith.constant 0 : index
    %swap3A_11 = vector.load %arg3[%swap3A, %swap3A_10] : memref<10000x128xf32, #tpu.memory_space<vmem>>, vector<10000x128xf32>
    tpu.vector_store %arg3[%swap3A, %swap3A_10], %add3A_9 {strides = array<i32>} : memref<10000x128xf32, #tpu.memory_space<vmem>>, vector<10000x128xf32>,
    return
  }
}

module attributes {stable_mosaic.version = 14 : i64} {
  func.func @_tc_post_body(%arg0: memref<2x10240x64xf32, #tpu.memory_space<vmem>>, %arg1: memref<2x10240x16xf32, #tpu.memory_space<vmem>>, %arg2: memref<10000x128xf32, #tpu.memory_space<vmem>>, %arg3: memref<128x128xf32, #tpu.memory_space<vmem>>, %arg4: memref<10000x128xf32, #tpu.memory_space<vmem>>) attributes {dimension_semantics = [], scalar_prefetch = 0 : i64, scratch_operands = 0 : i64, tpu.core_type = #tpu.core_type<tc>} {
    %get3A = arith.constant 0 : index
    %get3A_0 = arith.constant 0 : index
    %get3A_1 = arith.constant 0 : index
    %get3A_2 = vector.load %arg0[%get3A, %get3A_0, %get3A_1] : memref<2x10240x64xf32, #tpu.memory_space<vmem>>, vector<1x10000x64xf32>
    %get3A_3 = vector.shape_cast %get3A_2 : vector<1x10000x64xf32> to vector<10000x64xf32>
    %get3A_4 = arith.constant 1 : index
    %get3A_5 = arith.constant 0 : index
    %get3A_6 = arith.constant 0 : index
    %get3A_7 = vector.load %arg0[%get3A_4, %get3A_5, %get3A_6] : memref<2x10240x64xf32, #tpu.memory_space<vmem>>, vector<1x10000x64xf32>
    %get3A_8 = vector.shape_cast %get3A_7 : vector<1x10000x64xf32> to vector<10000x64xf32>
    %concatenate3A = tpu.concatenate %get3A_3, %get3A_8 in 1 : vector<10000x64xf32>, vector<10000x64xf32> -> vector<10000x128xf32>
    %get3A_9 = arith.constant 0 : index
    %get3A_10 = arith.constant 0 : index
    %get3A_11 = arith.constant 0 : index
    %get3A_12 = vector.load %arg1[%get3A_9, %get3A_10, %get3A_11] : memref<2x10240x16xf32, #tpu.memory_space<vmem>>, vector<1x10000x1xf32>
    %get3A_13 = vector.shape_cast %get3A_12 : vector<1x10000x1xf32> to vector<10000x1xf32>
    %get3A_14 = arith.constant 1 : index
    %get3A_15 = arith.constant 0 : index
    %get3A_16 = arith.constant 0 : index
    %get3A_17 = vector.load %arg1[%get3A_14, %get3A_15, %get3A_16] : memref<2x10240x16xf32, #tpu.memory_space<vmem>>, vector<1x10000x1xf32>
    %get3A_18 = vector.shape_cast %get3A_17 : vector<1x10000x1xf32> to vector<10000x1xf32>
    %add3A = arith.addf %get3A_13, %get3A_18 : vector<10000x1xf32>
    %max3A = arith.constant 1.000000e+00 : f32
    %max3A_19 = vector.broadcast %max3A : f32 to vector<10000x1xf32>
    %max3A_20 = arith.maximumf %add3A, %max3A_19 : vector<10000x1xf32>
    %div3A = vector.broadcast %max3A_20 : vector<10000x1xf32> to vector<10000x128xf32>
    %div3A_21 = arith.divf %concatenate3A, %div3A : vector<10000x128xf32>
    %get3A_22 = arith.constant 0 : index
    %get3A_23 = arith.constant 0 : index
    %get3A_24 = vector.load %arg3[%get3A_22, %get3A_23] : memref<128x128xf32, #tpu.memory_space<vmem>>, vector<128x128xf32>
    %dot_general3A = arith.constant dense<0.000000e+00> : vector<10000x128xf32>
    %dot_general3A_25 = tpu.matmul %div3A_21, %get3A_24, %dot_general3A {dimension_numbers = #tpu.dot_dimension_numbers<[1], [0], [0], [1], [0, 0, 1, 1], [], []>, transpose_lhs_hint = false} : vector<10000x128xf32>, vector<128x128xf32>, vector<10000x128xf32> -> vector<10000x128xf32>
    %get3A_26 = arith.constant 0 : index
    %get3A_27 = arith.constant 0 : index
    %get3A_28 = vector.load %arg2[%get3A_26, %get3A_27] : memref<10000x128xf32, #tpu.memory_space<vmem>>, vector<10000x128xf32>
    %add3A_29 = arith.addf %dot_general3A_25, %get3A_28 : vector<10000x128xf32>
    %max3A_30 = arith.constant 0.000000e+00 : f32
    %max3A_31 = vector.broadcast %max3A_30 : f32 to vector<10000x128xf32>
    %max3A_32 = arith.maximumf %add3A_29, %max3A_31 : vector<10000x128xf32>
    %swap3A = arith.constant 0 : index
    %swap3A_33 = arith.constant 0 : index
    %swap3A_34 = vector.load %arg4[%swap3A, %swap3A_33] : memref<10000x128xf32, #tpu.memory_space<vmem>>, vector<10000x128xf32>
    tpu.vector_store %arg4[%swap3A, %swap3A_33], %max3A_32 {strides = array<i32>} : memref<10000x128xf32, #tpu.memory_space<vmem>>, vector<10000x128xf32>,
    return
  }
}

module attributes {stable_mosaic.version = 14 : i64} {
  func.func @_tc_post_body(%arg0: memref<2x10240x64xf32, #tpu.memory_space<vmem>>, %arg1: memref<2x10240x16xf32, #tpu.memory_space<vmem>>, %arg2: memref<10000x128xf32, #tpu.memory_space<vmem>>, %arg3: memref<128x128xf32, #tpu.memory_space<vmem>>, %arg4: memref<10000x128xf32, #tpu.memory_space<vmem>>) attributes {dimension_semantics = [], scalar_prefetch = 0 : i64, scratch_operands = 0 : i64, tpu.core_type = #tpu.core_type<tc>} {
    %get3A = arith.constant 0 : index
    %get3A_0 = arith.constant 0 : index
    %get3A_1 = arith.constant 0 : index
    %get3A_2 = vector.load %arg0[%get3A, %get3A_0, %get3A_1] : memref<2x10240x64xf32, #tpu.memory_space<vmem>>, vector<1x10000x64xf32>
    %get3A_3 = vector.shape_cast %get3A_2 : vector<1x10000x64xf32> to vector<10000x64xf32>
    %get3A_4 = arith.constant 1 : index
    %get3A_5 = arith.constant 0 : index
    %get3A_6 = arith.constant 0 : index
    %get3A_7 = vector.load %arg0[%get3A_4, %get3A_5, %get3A_6] : memref<2x10240x64xf32, #tpu.memory_space<vmem>>, vector<1x10000x64xf32>
    %get3A_8 = vector.shape_cast %get3A_7 : vector<1x10000x64xf32> to vector<10000x64xf32>
    %concatenate3A = tpu.concatenate %get3A_3, %get3A_8 in 1 : vector<10000x64xf32>, vector<10000x64xf32> -> vector<10000x128xf32>
    %get3A_9 = arith.constant 0 : index
    %get3A_10 = arith.constant 0 : index
    %get3A_11 = arith.constant 0 : index
    %get3A_12 = vector.load %arg1[%get3A_9, %get3A_10, %get3A_11] : memref<2x10240x16xf32, #tpu.memory_space<vmem>>, vector<1x10000x1xf32>
    %get3A_13 = vector.shape_cast %get3A_12 : vector<1x10000x1xf32> to vector<10000x1xf32>
    %get3A_14 = arith.constant 1 : index
    %get3A_15 = arith.constant 0 : index
    %get3A_16 = arith.constant 0 : index
    %get3A_17 = vector.load %arg1[%get3A_14, %get3A_15, %get3A_16] : memref<2x10240x16xf32, #tpu.memory_space<vmem>>, vector<1x10000x1xf32>
    %get3A_18 = vector.shape_cast %get3A_17 : vector<1x10000x1xf32> to vector<10000x1xf32>
    %add3A = arith.addf %get3A_13, %get3A_18 : vector<10000x1xf32>
    %max3A = arith.constant 1.000000e+00 : f32
    %max3A_19 = vector.broadcast %max3A : f32 to vector<10000x1xf32>
    %max3A_20 = arith.maximumf %add3A, %max3A_19 : vector<10000x1xf32>
    %div3A = vector.broadcast %max3A_20 : vector<10000x1xf32> to vector<10000x128xf32>
    %div3A_21 = arith.divf %concatenate3A, %div3A : vector<10000x128xf32>
    %get3A_22 = arith.constant 0 : index
    %get3A_23 = arith.constant 0 : index
    %get3A_24 = vector.load %arg3[%get3A_22, %get3A_23] : memref<128x128xf32, #tpu.memory_space<vmem>>, vector<128x128xf32>
    %dot_general3A = arith.constant dense<0.000000e+00> : vector<10000x128xf32>
    %dot_general3A_25 = tpu.matmul %div3A_21, %get3A_24, %dot_general3A {dimension_numbers = #tpu.dot_dimension_numbers<[1], [0], [0], [1], [0, 0, 1, 1], [], []>, transpose_lhs_hint = false} : vector<10000x128xf32>, vector<128x128xf32>, vector<10000x128xf32> -> vector<10000x128xf32>
    %get3A_26 = arith.constant 0 : index
    %get3A_27 = arith.constant 0 : index
    %get3A_28 = vector.load %arg2[%get3A_26, %get3A_27] : memref<10000x128xf32, #tpu.memory_space<vmem>>, vector<10000x128xf32>
    %add3A_29 = arith.addf %dot_general3A_25, %get3A_28 : vector<10000x128xf32>
    %swap3A = arith.constant 0 : index
    %swap3A_30 = arith.constant 0 : index
    %swap3A_31 = vector.load %arg4[%swap3A, %swap3A_30] : memref<10000x128xf32, #tpu.memory_space<vmem>>, vector<10000x128xf32>
    tpu.vector_store %arg4[%swap3A, %swap3A_30], %add3A_29 {strides = array<i32>} : memref<10000x128xf32, #tpu.memory_space<vmem>>, vector<10000x128xf32>,
    return
  }
}

</mosaic_0001>

<sc_bundles>
// kernel: kernel.12.cloned.1.call-start
scs
__scs_entry_jumppad:
0x0: {  	(pc) =	sbr.rel $0x88, $3  }
0x1: {  	(tag) =	ssettag $0x0;
	lr =	simm.s32 $0x1  }
0x2: {  	[smem:$0x3F99] =	sst lr;
	_ =	strace $0xD0000000  }
0x3: {  	_ = 	snop  }
0x4: {  	_ = 	snop  }
0x5: {  	_ = 	snop  }
0x6: {  	_ = 	snop  }
0x7: {  	_ = 	snop  }
__scs_overlays_trampoline_lowered:
0x8: {  	[smem:$0x3FA8] =	sst s0  }
0x9: {  	[smem:$0x3FA9] =	sst s1  }
0xa: {  	[smem:$0x3FAA] =	sst s2  }
0xb: {  	[smem:$0x3FAB] =	sst s3  }
0xc: {  	[smem:$0x3FAC] =	sst s4  }
0xd: {  	[smem:$0x3FAD] =	sst s5  }
0xe: {  	[smem:$0x3FAE] =	sst s6  }
0xf: {  	[smem:$0x3FAF] =	sst s7  }
0x10: {  	[smem:$0x3FB0] =	sst s8  }
0x11: {  	[smem:$0x3FB1] =	sst s9;
	s0 =	simm.s32 @!p0 $0x0  }
0x12: {  	s1 =	sld [smem:$0x3F97];
	s0 =	simm.s32 @p0 $0x1  }
0x13: {  	[smem:$0x3FB2] =	sst s0;
	s0 =	simm.s32 @!p1 $0x0  }
0x14: {  	s2 =	sld [smem:$0x3F96];
	s0 =	simm.s32 @p1 $0x1  }
0x15: {  	[smem:$0x3FB3] =	sst s0;
	s0 =	simm.s32 @!p2 $0x0  }
0x16: {  	s3 =	sld [smem:$0x3FDB];
	s0 =	simm.s32 @p2 $0x1  }
0x17: {  	s4 =	simm.s32 $0x1BF5;
	[smem:$0x3FB5] =	sst s0  }
0x18: {  	s0 =	sld [smem:$0x3F98];
	_ =	swait.ge [sflag:s4], $0x0  }
0x19: {  	s7 =	sld [smem:$0x3F99]  }
0x1a: {  	s8 =	sadd.s32 $0xFFFFE003, lr  }
0x1b: {  	s9 =	sadd.s32 $0xFFFFFEF7, lr;
	s5 =	simm.s32 $0xFFFFFFFF;
	p2 =	slt.u32 s8, $0xFFFFF086  }
0x1c: {  	p1 =	slt.u32 s9, $0xF7A;
	s5 =	simm.s32 @!p2 $0x0  }
0x1d: {  	s5 =	simm.s32 @p1 $0x1;
	p0 =	seq.s32 s7, s2  }
0x1e: {  	s7 =	smul.u32 @!p0 $0xF7A, s2;
	p2 =	seq.s32 @!p0 s5, $0x0  }
0x1f: {  	s9 =	smul.u32 $0xF7A, s1;
	s8 =	simm.s32 @!p0 $0x1BF5;
	p2 =	por !p2, p0  }
0x20: {  	[sflag:s8] =	ssyncset.s32 @!p0 $0xFFFFF086;
	s6 =	sadd.s32 @!p0 s3, s7;
	s7 =	simm.s32 @!p0 $0x108  }
0x21: {  	s3 =	sadd.s32 s3, s9;
	s6 =	sadd.s32 @!p0 $0x88, s6;
	s7 =	simm.s32 @p2 $0x1082  }
0x22: {  	[simem:s7], [sflag:s8] =	dma.local @!p0 [hbm:s6], $0xF7A  }
0x23: {  	s9 =	sor.u32 $0xD0000000, s2;
	s6 =	simm.s32 $0x108;
	_ =	swait.ge @!p0 [sflag:s8], $0x0  }
0x24: {  	s3 =	sadd.s32 $0x88, s3;
	s6 =	simm.s32 @!p1 $0x1082;
	[sflag:s4] =	ssyncset.s32 $0xFFFFF086  }
0x25: {  	[simem:s6], [sflag:s4] =	dma.local [hbm:s3], $0xF7A  }
0x26: {  	[smem:$0x3F99] =	sst s1;
	(tag) =	ssettag s2;
	_ =	strace s9  }
0x27: {  	s1 =	sld [smem:$0x3FA9]  }
0x28: {  	s2 =	sld [smem:$0x3FAA]  }
0x29: {  	s4 =	sld [smem:$0x3FAC]  }
0x2a: {  	p0 =	seq.s32 s5, $0x0;
	s5 =	sld [smem:$0x3FAD]  }
0x2b: {  	s6 =	sld [smem:$0x3FAE]  }
0x2c: {  	s7 =	sld [smem:$0x3FAF]  }
0x2d: {  	s3 =	simm.s32 $0x108;
	s8 =	sld [smem:$0x3FB0]  }
0x2e: {  	s3 =	simm.s32 @!p0 $0x1082;
	s9 =	sld [smem:$0x3FB1]  }
0x2f: {  	lr =	sadd.s32 s0, s3;
	s0 =	sld [smem:$0x3FA8]  }
0x30: {  	s3 =	sld [smem:$0x3FAB]  }
0x31: {  	[smem:$0x3FB4] =	sst s10  }
0x32: {  	s10 =	sld [smem:$0x3FB2];
	_ =	sdelay $0x3  }
0x33: {  	p0 =	seq.s32 s10, $0x1;
	s10 =	sld [smem:$0x3FB4];
	_ =	sdelay $0x3  }
0x34: {  	[smem:$0x3FB4] =	sst s10  }
0x35: {  	s10 =	sld [smem:$0x3FB3];
	_ =	sdelay $0x3  }
0x36: {  	p1 =	seq.s32 s10, $0x1;
	s10 =	sld [smem:$0x3FB4];
	_ =	sdelay $0x3  }
0x37: {  	[smem:$0x3FB4] =	sst s10  }
0x38: {  	s10 =	sld [smem:$0x3FB5]  }
0x39: {  	_ = 	snop;
	(pc) =	sbr.ind lr, $3  }
0x3a: {  	_ = 	snop  }
0x3b: {  	_ = 	snop  }
0x3c: {  	p2 =	seq.s32 s10, $0x1;
	s10 =	sld [smem:$0x3FB4]  }
0x3d: {  	_ =	shalt  }
0x3e: {  	_ =	shalt  }
0x3f: {  	_ =	shalt  }
0x40: {  	_ =	shalt  }
0x41: {  	_ =	shalt  }
0x42: {  	_ =	shalt  }
0x43: {  	_ =	shalt  }
0x44: {  	_ =	shalt  }
0x45: {  	_ =	shalt  }
0x46: {  	_ =	shalt  }
0x47: {  	_ =	shalt  }
0x48: {  	_ =	shalt  }
0x49: {  	_ =	shalt  }
0x4a: {  	_ =	shalt  }
0x4b: {  	_ =	shalt  }
0x4c: {  	_ =	shalt  }
0x4d: {  	_ =	shalt  }
0x4e: {  	_ =	shalt  }
0x4f: {  	_ =	shalt  }
0x50: {  	_ =	shalt  }
0x51: {  	_ =	shalt  }
0x52: {  	_ =	shalt  }
0x53: {  	_ =	shalt  }
0x54: {  	_ =	shalt  }
0x55: {  	_ =	shalt  }
0x56: {  	_ =	shalt  }
0x57: {  	_ =	shalt  }
0x58: {  	_ =	shalt  }
0x59: {  	_ =	shalt  }
0x5a: {  	_ =	shalt  }
0x5b: {  	_ =	shalt  }
0x5c: {  	_ =	shalt  }
0x5d: {  	_ =	shalt  }
0x5e: {  	_ =	shalt  }
0x5f: {  	_ =	shalt  }
0x60: {  	_ =	shalt  }
0x61: {  	_ =	shalt  }
0x62: {  	_ =	shalt  }
0x63: {  	_ =	shalt  }
0x64: {  	_ =	shalt  }
0x65: {  	_ =	shalt  }
0x66: {  	_ =	shalt  }
0x67: {  	_ =	shalt  }
0x68: {  	_ =	shalt  }
0x69: {  	_ =	shalt  }
0x6a: {  	_ =	shalt  }
0x6b: {  	_ =	shalt  }
0x6c: {  	_ =	shalt  }
0x6d: {  	_ =	shalt  }
0x6e: {  	_ =	shalt  }
0x6f: {  	_ =	shalt  }
0x70: {  	_ =	shalt  }
0x71: {  	_ =	shalt  }
0x72: {  	_ =	shalt  }
0x73: {  	_ =	shalt  }
0x74: {  	_ =	shalt  }
0x75: {  	_ =	shalt  }
0x76: {  	_ =	shalt  }
0x77: {  	_ =	shalt  }
0x78: {  	_ =	shalt  }
0x79: {  	_ =	shalt  }
0x7a: {  	_ =	shalt  }
0x7b: {  	_ =	shalt  }
0x7c: {  	_ =	shalt  }
0x7d: {  	_ =	shalt  }
0x7e: {  	_ =	shalt  }
0x7f: {  	_ =	shalt  }
0x80: {  	_ =	shalt  }
0x81: {  	_ =	shalt  }
0x82: {  	_ =	shalt  }
0x83: {  	_ =	shalt  }
0x84: {  	_ =	shalt  }
0x85: {  	_ =	shalt  }
0x86: {  	_ =	shalt  }
0x87: {  	_ =	shalt  }
.Lfunc_end0:
.L_simem_size_0:
called_computation.1_lowered:
.L_overlay_start_0:
0x88: {  	s2 =	sld [smem:$0x3FD9]  }
0x89: {  	s3 =	sld [smem:$0x3FFE];
	_ =	sdelay $0x1  }
0x8a: {  	s1 =	srdreg.scid  }
0x8b: {  	s0 =	sand.u32 $0x1, s1  }
0x8c: {  	s17 =	sshll.u32 s0, $0xA;
	s2 =	sadd.s32 s3, s2  }
0x8d: {  	s2 =	sadd.s32 s2, s17  }
0x8e: {  	[smem:$0x3FC0] =	sst s2  }
0x8f: {  	_ = 	snop  }
0x90: {  	s2 =	sld [smem:$0x3FC9];
	(tm) =	ssettm $0x1  }
0x91: {  	s18 =	sld [smem:$0x3FFB];
	_ =	sdelay $0x3  }
0x92: {  	_ =	strace s18  }
0x93: {  	s3 =	sld [smem:$0x3FFC];
	_ =	sdelay $0x3  }
0x94: {  	_ =	strace s3  }
0x95: {  	s3 =	sld [smem:$0x3FFD];
	_ =	sdelay $0x3  }
0x96: {  	_ =	strace s3  }
0x97: {  	_ =	strace $0x8FFFFFFF  }
0x98: {  	s19 =	sld [smem:$0x3FDB];
	_ =	sdelay $0x1  }
0x99: {  	s4 =	simm.s32 $_scs_section_size  }
0x9a: {  	s5 =	simm.s32 $_size__tile_overlayer_lowered;
	s6 =	simm.s32 $_tile_overlayer_lowered  }
0x9b: {  	s22 =	simm.s32 $0x1BFF;
	s21 =	sshll.u32 s6, $0x1;
	s3 =	sadd.s32 s4, s19  }
0x9c: {  	s7 =	simm.s32 $0x0;
	s20 =	sshll.u32 s5, $0x1;
	s5 =	sadd.s32 s21, s3  }
0x9d: {  	[timem:s7], [sflag:s22] =	dma.local [hbm:s5], s20  }
0x9e: {  	_ =	swait.ge [sflag:s22], s20  }
0x9f: {  	s4 =	ssub.s32 $0x0, s20;
	[sflag:s22] =	ssyncset.done $0x0  }
0xa0: {  	[sflag:s22] =	ssyncadd.s32 s4;
	_ =	sdelay $0x1  }
0xa1: {  	s23 =	simm.s32 $0x1B8B  }
0xa2: {  	_ =	swait.ge [sflag:s23], $0x1  }
0xa3: {  	[sflag:s23] =	ssyncset.done $0x0  }
0xa4: {  	s25 =	simm.s32 $0x1B8E;
	s24 =	sld [smem:$0x3FFE];
	[sflag:s23] =	ssyncadd.s32 $0xFFFFFFFF  }
0xa5: {  	s26 =	simm.s32 $execute0_lowered;
	[smem:$0x3FD2] =	sst s25  }
0xa6: {  	s5 =	sshll.u32 s26, $0x1;
	_ =	strace $0x80000046;
	[dreg:$0x1] =	wrdreg $0xFFFFFFFF  }
0xa7: {  	s28 =	simm.s32 $_size_execute0_lowered;
	s3 =	sadd.s32 s3, s5;
	[dreg:$0x0] =	wrdreg $0x0  }
0xa8: {  	s5 =	sshll.u32 s28, $0x1;
	[dreg:$0x2] =	wrdreg s3  }
0xa9: {  	[dreg:$0x3] =	wrdreg s5  }
0xaa: {  	[dreg:$0x4] =	wrdreg $0xC0  }
0xab: {  	_ =	task [dreg:s7], $0x5FFFF  }
0xac: {  	[dreg:$0x1] =	wrdreg $0xFFFFFFFF  }
0xad: {  	[dreg:$0x0] =	wrdreg $0x60  }
0xae: {  	[dreg:$0x2] =	wrdreg s2  }
0xaf: {  	[dreg:$0x3] =	wrdreg s24  }
0xb0: {  	[dreg:$0x4] =	wrdreg $0xC0000  }
0xb1: {  	[dreg:$0x5] =	wrdreg $0x160000  }
0xb2: {  	[dreg:$0x6] =	wrdreg $0xA  }
0xb3: {  	_ =	task.clear_ibuf [dreg:s7], $0x7FFFF;
	_ =	strace $0x90000046  }
0xb4: {  	s29 =	simm.s32 $0xA;
	_ =	strace $0x80000048  }
0xb5: {  	_ =	swait.ge [sflag:s29], $0x1  }
0xb6: {  	[sflag:s29] =	ssyncadd.s32 $0xFFFFFFFF  }
0xb7: {  	_ =	strace $0x90000048  }
0xb8: {  	_ =	sfence  }
0xb9: {  	s30 =	sld [smem:$0x0];
	_ =	sdelay $0x2  }
0xba: {  	s31 =	sshll.u32 s1, $0xD;
	s1 =	sshrl.u32 s1, $0x2  }
0xbb: {  	s3 =	sand.u32 $0x4000, s31;
	s1 =	sadd.s32 s1, s30  }
0xbc: {  	s0 =	sor.u32 s3, s0;
	s1 =	sshll.u32 s1, $0x11  }
0xbd: {  	s0 =	sor.u32 s1, s0  }
0xbe: {  	s0 =	sadd.s32 $0x8F2B, s0  }
0xbf: {  	[sflag:s0] =	ssyncadd.remote.s32 $0x1  }
0xc0: {  	_ =	sfence.sel $0xFFFF  }
0xc1: {  	[dreg:$0x0] =	wrdreg $0xFFFFFFFF;
	(pc) =	sbr.abs _section_cstart, $3  }
0xc2: {  	[dreg:$0x1] =	wrdreg $0xFFFFFFFF  }
0xc3: {  	_ =	task.clear_ibuf [dreg:s7], $0x2FFFF;
	_ =	strace $0x9FFFFFFF  }
0xc4: {  	(tm) =	ssettm $0x7FFFFFFF  }
0xc5: {  	_ =	shalt  }
tec
execute0_lowered:
.L_overlay_start_1:
0x0: {  	(tag) =	ssettag $0x1  }
0x1: {  	s0 =	rddreg [dreg:$0x0]  }
0x2: {  	s1 =	rddreg [dreg:$0x1]  }
0x3: {  	s2 =	rddreg [dreg:$0x2];
	s21 =	stileid.u32  }
0x4: {  	s4 =	srdreg.scid;
	s11 =	smul.u32 $0xA000, s21  }
0x5: {  	s3 =	rddreg [dreg:$0x3];
	s7 =	smul.u32 $0xA00, s21  }
0x6: {  	s22 =	simm.s32 $0x3;
	s31 =	simm.s32 $0x40;
	s23 =	smul.u32 $0x28000, s21  }
0x7: {  	s6 =	sand.u32 $0x1, s4;
	s4 =	simm.s32 $0x0;
	s8 =	smul.u32 $0x13800, s21  }
0x8: {  	s12 =	smul.u32 $0x27000, s21;
	p0 =	sne.s32 s21, $0xF;
	s21 =	simm.s32 $0xA000  }
0x9: {  	s5 =	smul.u32 $0xA0000, s6;
	[smem:$0x7FF] =	sst s4;
	s24 =	ssub.s32 $0x2, s6  }
0xa: {  	s25 =	sshll.u32 s6, $0x6;
	s6 =	sshll.u32 s6, $0x3;
	_ =	strace $0x80000047  }
0xb: {  	s9 =	sadd.s32 s7, s1;
	s10 =	sshrl.u32 s24, $0x1;
	s7 =	sshrl.u32 s23, $0x2  }
0xc: {  	s26 =	sshrl.u32 s12, $0x2;
	s28 =	sadd.s32 s6, s0;
	s30 =	sadd.s32 s11, s2  }
0xd: {  	s5 =	sadd.s32 s11, s5;
	s13 =	ssub.s32 s24, s10;
	s23 =	sadd.s32 s26, s3  }
0xe: {  	s6 =	sadd.s32 $0x27000, s28;
	s29 =	sadd.s32 $0xBE00, s9;
	s9 =	sadd.s32 $0x1E00, s9  }
0xf: {  	s26 =	simm.s32 $0x1;
	s5 =	sshrl.u32 s5, $0x3;
	[dreg:$0x6] =	wrdreg s6  }
0x10: {  	[dreg:$0x7] =	wrdreg s29;
	s11 =	smax.u32 s13, $0x1;
	s23 =	sshrl.u32 s23, $0x3  }
0x11: {  	s1 =	sadd.s32 s5, s1;
	s5 =	sadd.s32 s7, s2;
	s7 =	sor.u32 s25, s8  }
0x12: {  	s25 =	sshrl.u32 s30, $0x3;
	s7 =	sshrl.u32 s7, $0x3;
	s10 =	sadd.s32 $0x15E00, s1  }
0x13: {  	s12 =	sadd.s32 $0x1000, s5;
	s13 =	sadd.s32 $0x2000, s5;
	s14 =	sadd.s32 $0x3000, s5  }
0x14: {  	s15 =	sadd.s32 $0x4000, s5;
	s16 =	sadd.s32 $0x5000, s5;
	s17 =	sadd.s32 $0x6000, s5  }
0x15: {  	s18 =	sadd.s32 $0x7000, s5;
	s19 =	sadd.s32 $0x8000, s5;
	s0 =	sadd.s32 s0, s7  }
0x16: {  	s20 =	sadd.s32 $0x9000, s5;
	[dreg:$0x5] =	wrdreg s0;
	s0 =	sadd.s32 $0x9C000, s3  }
0x17: {  	v0 =	vimm.f32 $0.0e+00;
	s1 =	simm.s32 $0x2;
	s24 =	sshrl.u32 @!p0 s0, $0x3;
	s0 =	simm.s32 $0xB000  }
.LBB2_1:
0x18: {  	s29 =	simm.s32 $0x100;
	s28 =	simm.s32 $0x0  }
.LBB2_2:
0x19: {  	p1 =	sne.s32 s29, $0x3F00;
	[tilespmem:s28+$0xA030] =	vst v0;
	s30 =	smov.u32 s29;
	s29 =	sadd.s32 $0x100, s29  }
.Ltmp0:
0x1a: {  	[tilespmem:s28+$0xA020] =	vst v0;
	(pc) =	sbr.rel @p1 .LBB2_2-.Ltmp0, $3  }
0x1b: {  	[tilespmem:s28+$0xA000] =	vst v0  }
0x1c: {  	[tilespmem:s28+$0xA010] =	vst v0;
	_ =	sdelay $0x1  }
0x1d: {  	s28 =	sshra.s32 s30, $0x2  }
0x1e: {  	[tilespmem:s28+$0xA030] =	vst v0  }
0x1f: {  	[tilespmem:s28+$0xA020] =	vst v0  }
0x20: {  	[tilespmem:s28+$0xA000] =	vst v0  }
0x21: {  	[tilespmem:s28+$0xA010] =	vst v0  }
0x22: {  	[spmem:s5] =	stream.linear.scatter [tilespmem:s21], [sflag:$0x3], $0x1000, $0x38;
	[tilespmem:$0x1FC40] =	vst v63  }
0x23: {  	_ =	swait.ge [sflag:s22], $0x1000  }
0x24: {  	[sflag:s22] =	ssyncset.done $0x0  }
0x25: {  	[sflag:s22] =	ssyncadd.s32 $0xFFFFF000  }
0x26: {  	[spmem:s12] =	stream.linear.scatter [tilespmem:s21], [sflag:$0x3], $0x1000, $0x38;
	[tilespmem:$0x1FC40] =	vst v63  }
0x27: {  	_ =	swait.ge [sflag:s22], $0x1000  }
0x28: {  	[sflag:s22] =	ssyncset.done $0x0  }
0x29: {  	[sflag:s22] =	ssyncadd.s32 $0xFFFFF000  }
0x2a: {  	[spmem:s13] =	stream.linear.scatter [tilespmem:s21], [sflag:$0x3], $0x1000, $0x38;
	[tilespmem:$0x1FC40] =	vst v63  }
0x2b: {  	_ =	swait.ge [sflag:s22], $0x1000  }
0x2c: {  	[sflag:s22] =	ssyncset.done $0x0  }
0x2d: {  	[sflag:s22] =	ssyncadd.s32 $0xFFFFF000  }
0x2e: {  	[spmem:s14] =	stream.linear.scatter [tilespmem:s21], [sflag:$0x3], $0x1000, $0x38;
	[tilespmem:$0x1FC40] =	vst v63  }
0x2f: {  	_ =	swait.ge [sflag:s22], $0x1000  }
0x30: {  	[sflag:s22] =	ssyncset.done $0x0  }
0x31: {  	[sflag:s22] =	ssyncadd.s32 $0xFFFFF000  }
0x32: {  	[spmem:s15] =	stream.linear.scatter [tilespmem:s21], [sflag:$0x3], $0x1000, $0x38;
	[tilespmem:$0x1FC40] =	vst v63  }
0x33: {  	_ =	swait.ge [sflag:s22], $0x1000  }
0x34: {  	[sflag:s22] =	ssyncset.done $0x0  }
0x35: {  	[sflag:s22] =	ssyncadd.s32 $0xFFFFF000  }
0x36: {  	[spmem:s16] =	stream.linear.scatter [tilespmem:s21], [sflag:$0x3], $0x1000, $0x38;
	[tilespmem:$0x1FC40] =	vst v63  }
0x37: {  	_ =	swait.ge [sflag:s22], $0x1000  }
0x38: {  	[sflag:s22] =	ssyncset.done $0x0  }
0x39: {  	[sflag:s22] =	ssyncadd.s32 $0xFFFFF000  }
0x3a: {  	[spmem:s17] =	stream.linear.scatter [tilespmem:s21], [sflag:$0x3], $0x1000, $0x38;
	[tilespmem:$0x1FC40] =	vst v63  }
0x3b: {  	_ =	swait.ge [sflag:s22], $0x1000  }
0x3c: {  	[sflag:s22] =	ssyncset.done $0x0  }
0x3d: {  	[sflag:s22] =	ssyncadd.s32 $0xFFFFF000  }
0x3e: {  	[spmem:s18] =	stream.linear.scatter [tilespmem:s21], [sflag:$0x3], $0x1000, $0x38;
	[tilespmem:$0x1FC40] =	vst v63  }
0x3f: {  	_ =	swait.ge [sflag:s22], $0x1000  }
0x40: {  	[sflag:s22] =	ssyncset.done $0x0  }
0x41: {  	[sflag:s22] =	ssyncadd.s32 $0xFFFFF000  }
0x42: {  	[spmem:s19] =	stream.linear.scatter [tilespmem:s21], [sflag:$0x3], $0x1000, $0x38;
	[tilespmem:$0x1FC40] =	vst v63  }
0x43: {  	_ =	swait.ge [sflag:s22], $0x1000  }
0x44: {  	[sflag:s22] =	ssyncset.done $0x0  }
0x45: {  	[sflag:s22] =	ssyncadd.s32 $0xFFFFF000  }
0x46: {  	[spmem:s20] =	stream.linear.scatter [tilespmem:s21], [sflag:$0x3], $0x1000, $0x38;
	[tilespmem:$0x1FC40] =	vst v63  }
0x47: {  	s6 =	stileid.u32;
	s7 =	simm.s32 $0x8;
	_ =	swait.ge [sflag:s22], $0x1000  }
0x48: {  	s8 =	simm.s32 $0x10;
	s28 =	sshll.u32 s6, $0x6;
	[sflag:s22] =	ssyncset.done $0x0  }
0x49: {  	s28 =	sor.u32 $0x1C03, s28;
	s6 =	rddreg [dreg:$0x5];
	[sflag:s22] =	ssyncadd.s32 $0xFFFFF000  }
0x4a: {  	[spmem:s23@s7], [sflag:s28] =	dma.strided [hbm:s6@s8], $0x1380, s26, $0x8   }
0x4b: {  	_ =	swait.ge [sflag:s22], $0x1380  }
0x4c: {  	s29 =	simm.s32 @!p0 $0x1;
	s30 =	simm.s32 @!p0 $0x8;
	[sflag:s22] =	ssyncset.done $0x0  }
0x4d: {  	s6 =	simm.s32 @!p0 $0x10;
	s7 =	rddreg [dreg:$0x6];
	[sflag:s22] =	ssyncadd.s32 $0xFFFFEC80  }
0x4e: {  	[spmem:s24@s30], [sflag:s28] =	dma.strided @!p0 [hbm:s7@s6], $0x80, s29, $0x8   }
0x4f: {  	s6 =	simm.s32 @!p0 $0x3  }
0x50: {  	_ =	swait.ge @!p0 [sflag:s6], $0x80  }
0x51: {  	[sflag:s6] =	ssyncset.done @!p0 $0x0  }
0x52: {  	s8 =	rddreg [dreg:$0x7];
	[sflag:s6] =	ssyncadd.s32 @!p0 $0xFFFFFF80;
	s6 =	simm.s32 $0x0  }
0x53: {  	[tilespmem:s6], [sflag:$0x3] =	stream.linear.gather [hbm4b:s8+s6], $0x5000, $0x38;
	[tilespmem:$0x1FC40] =	vst v63  }
0x54: {  	_ =	swait.ge [sflag:s22], $0x5000  }
0x55: {  	[sflag:s22] =	ssyncset.done $0x0  }
0x56: {  	s8 =	simm.s32 $0x5000;
	[sflag:s22] =	ssyncadd.s32 $0xFFFFB000  }
0x57: {  	[tilespmem:s8], [sflag:$0x3] =	stream.linear.gather [hbm4b:s9+s6], $0x5000, $0x38;
	[tilespmem:$0x1FC40] =	vst v63  }
0x58: {  	_ =	swait.ge [sflag:s22], $0x5000  }
0x59: {  	[sflag:s22] =	ssyncset.done $0x0  }
0x5a: {  	[sflag:s22] =	ssyncadd.s32 $0xFFFFB000  }
0x5b: {  	[bflag:$0x0] =	sbarrier.arrive $0xFFFF  }
0x5c: {  	[tilespmem:s21], [sflag:$0x1] =	stream.indirect.gather [spmem:s3], $0x40, s6, s31, $0xb8;
	[tilespmem:$0x1FC40] =	vst v63  }
0x5d: {  	s7 =	simm.s32 $0x40  }
0x5e: {  	[tilespmem:s0], [sflag:$0x2] =	stream.indirect.gather [spmem:s3], $0x40, s7, s31, $0xb8;
	[tilespmem:$0x1FC40] =	vst v63  }
0x5f: {  	_ =	swait.ge [sflag:s26], $0x1000  }
0x60: {  	[sflag:s26] =	ssyncset.done $0x0  }
0x61: {  	s8 =	simm.s32 $0x5000;
	[sflag:s26] =	ssyncadd.s32 $0xFFFFF000  }
0x62: {  	[spmem:s2] =	stream.indirect.scatter.add.f32 [tilespmem:s21], [sflag:$0x3], $0x40, s8, s31, $0xb8;
	[tilespmem:$0x1FC40] =	vst v63  }
0x63: {  	_ =	swait.ge [sflag:s22], $0x1000  }
0x64: {  	[sflag:s22] =	ssyncset.done $0x0  }
0x65: {  	s7 =	simm.s32 $0x80;
	[sflag:s22] =	ssyncadd.s32 $0xFFFFF000  }
0x66: {  	[tilespmem:s21], [sflag:$0x1] =	stream.indirect.gather [spmem:s3], $0x40, s7, s31, $0xb8;
	[tilespmem:$0x1FC40] =	vst v63  }
0x67: {  	_ =	swait.ge [sflag:s1], $0x1000  }
0x68: {  	[sflag:s1] =	ssyncset.done $0x0  }
0x69: {  	s8 =	simm.s32 $0x5040;
	[sflag:s1] =	ssyncadd.s32 $0xFFFFF000  }
0x6a: {  	[spmem:s2] =	stream.indirect.scatter.add.f32 [tilespmem:s0], [sflag:$0x3], $0x40, s8, s31, $0xb8;
	[tilespmem:$0x1FC40] =	vst v63  }
0x6b: {  	_ =	swait.ge [sflag:s22], $0x1000  }
0x6c: {  	s30 =	simm.s32 $0x400;
	s29 =	simm.s32 $0x80;
	[sflag:s22] =	ssyncset.done $0x0  }
.LBB2_4:
0x6d: {  	s6 =	sadd.s32 $0x40, s29  }
0x6e: {  	[sflag:s22] =	ssyncadd.s32 $0xFFFFF000;
	s7 =	smov.u32 s30;
	s8 =	sadd.s32 $0x200, s30  }
0x6f: {  	[tilespmem:s0], [sflag:$0x2] =	stream.indirect.gather [spmem:s3], $0x40, s6, s31, $0xb8;
	[tilespmem:$0x1FC40] =	vst v63  }
0x70: {  	p1 =	sne.s32 s30, $0x13C00;
	_ =	swait.ge [sflag:s26], $0x1000  }
0x71: {  	[sflag:s26] =	ssyncset.done $0x0  }
0x72: {  	s6 =	sadd.s32 $0x5000, s29;
	[sflag:s26] =	ssyncadd.s32 $0xFFFFF000  }
0x73: {  	[spmem:s2] =	stream.indirect.scatter.add.f32 [tilespmem:s21], [sflag:$0x3], $0x40, s6, s31, $0xb8;
	[tilespmem:$0x1FC40] =	vst v63  }
0x74: {  	_ =	swait.ge [sflag:s22], $0x1000  }
0x75: {  	[sflag:s22] =	ssyncset.done $0x0  }
0x76: {  	s6 =	sadd.s32 $0x80, s29;
	[sflag:s22] =	ssyncadd.s32 $0xFFFFF000  }
0x77: {  	[tilespmem:s21], [sflag:$0x1] =	stream.indirect.gather [spmem:s3], $0x40, s6, s31, $0xb8;
	[tilespmem:$0x1FC40] =	vst v63  }
0x78: {  	_ =	swait.ge [sflag:s1], $0x1000  }
.Ltmp1:
0x79: {  	[sflag:s1] =	ssyncset.done $0x0;
	(pc) =	sbr.rel @p1 .LBB2_4-.Ltmp1, $4  }
0x7a: {  	s6 =	sadd.s32 $0x5040, s29;
	[sflag:s1] =	ssyncadd.s32 $0xFFFFF000  }
0x7b: {  	[spmem:s2] =	stream.indirect.scatter.add.f32 [tilespmem:s0], [sflag:$0x3], $0x40, s6, s31, $0xb8;
	[tilespmem:$0x1FC40] =	vst v63  }
0x7c: {  	_ =	swait.ge [sflag:s22], $0x1000  }
0x7d: {  	s30 =	smov.u32 s8;
	s29 =	sshra.s32 s7, $0x2;
	[sflag:s22] =	ssyncset.done $0x0  }
0x7e: {  	s6 =	sadd.s32 $0x40, s29;
	[sflag:s22] =	ssyncadd.s32 $0xFFFFF000  }
0x7f: {  	[tilespmem:s0], [sflag:$0x2] =	stream.indirect.gather [spmem:s3], $0x40, s6, s31, $0xb8;
	[tilespmem:$0x1FC40] =	vst v63  }
0x80: {  	_ =	swait.ge [sflag:s26], $0x1000  }
0x81: {  	[sflag:s26] =	ssyncset.done $0x0  }
0x82: {  	s8 =	sadd.s32 $0x5000, s29;
	[sflag:s26] =	ssyncadd.s32 $0xFFFFF000  }
0x83: {  	[spmem:s2] =	stream.indirect.scatter.add.f32 [tilespmem:s21], [sflag:$0x3], $0x40, s8, s31, $0xb8;
	[tilespmem:$0x1FC40] =	vst v63  }
0x84: {  	_ =	swait.ge [sflag:s22], $0x1000  }
0x85: {  	[sflag:s22] =	ssyncset.done $0x0  }
0x86: {  	s30 =	sadd.s32 $0x80, s29;
	[sflag:s22] =	ssyncadd.s32 $0xFFFFF000  }
0x87: {  	[tilespmem:s21], [sflag:$0x1] =	stream.indirect.gather [spmem:s3], $0x40, s30, s31, $0xb8;
	[tilespmem:$0x1FC40] =	vst v63  }
0x88: {  	_ =	swait.ge [sflag:s1], $0x1000  }
0x89: {  	[sflag:s1] =	ssyncset.done $0x0  }
0x8a: {  	s7 =	sadd.s32 $0x5040, s29;
	[sflag:s1] =	ssyncadd.s32 $0xFFFFF000  }
0x8b: {  	[spmem:s2] =	stream.indirect.scatter.add.f32 [tilespmem:s0], [sflag:$0x3], $0x40, s7, s31, $0xb8;
	[tilespmem:$0x1FC40] =	vst v63  }
0x8c: {  	_ =	swait.ge [sflag:s22], $0x1000  }
0x8d: {  	[sflag:s22] =	ssyncset.done $0x0  }
0x8e: {  	s8 =	simm.s32 $0x4FC0;
	[sflag:s22] =	ssyncadd.s32 $0xFFFFF000  }
0x8f: {  	[tilespmem:s0], [sflag:$0x2] =	stream.indirect.gather [spmem:s3], $0x40, s8, s31, $0xb8;
	[tilespmem:$0x1FC40] =	vst v63  }
0x90: {  	_ =	swait.ge [sflag:s26], $0x1000  }
0x91: {  	[sflag:s26] =	ssyncset.done $0x0  }
0x92: {  	s29 =	simm.s32 $0x9F80;
	[sflag:s26] =	ssyncadd.s32 $0xFFFFF000  }
0x93: {  	[spmem:s2] =	stream.indirect.scatter.add.f32 [tilespmem:s21], [sflag:$0x3], $0x40, s29, s31, $0xb8;
	[tilespmem:$0x1FC40] =	vst v63  }
0x94: {  	_ =	swait.ge [sflag:s22], $0x1000  }
0x95: {  	[sflag:s22] =	ssyncset.done $0x0  }
0x96: {  	[sflag:s22] =	ssyncadd.s32 $0xFFFFF000  }
0x97: {  	_ =	swait.ge [sflag:s1], $0x1000  }
0x98: {  	[sflag:s1] =	ssyncset.done $0x0  }
0x99: {  	s30 =	simm.s32 $0x9FC0;
	[sflag:s1] =	ssyncadd.s32 $0xFFFFF000  }
0x9a: {  	[spmem:s2] =	stream.indirect.scatter.add.f32 [tilespmem:s0], [sflag:$0x3], $0x40, s30, s31, $0xb8;
	[tilespmem:$0x1FC40] =	vst v63  }
0x9b: {  	_ =	swait.ge [sflag:s22], $0x1000  }
0x9c: {  	s4 =	sadd.s32 $0x1, s4;
	[sflag:s22] =	ssyncset.done $0x0  }
0x9d: {  	p1 =	sne.s32 s4, s11;
	[sflag:s22] =	ssyncadd.s32 $0xFFFFF000  }
.Ltmp2:
0x9e: {  	[bflag:$0x0] =	sbarrier.arrive $0xFFFF;
	(pc) =	sbr.rel @p1 .LBB2_1-.Ltmp2, $4  }
0x9f: {  	[hbm:s10], [sflag:s28] =	dma.local [spmem:s25], $0x1400  }
0xa0: {  	_ =	swait.ge [sflag:s22], $0x1400  }
0xa1: {  	[sflag:s22] =	ssyncset.done $0x0  }
0xa2: {  	[sflag:s22] =	ssyncadd.s32 $0xFFFFEC00  }
0xa3: {  	_ =	sfence.sel $0x180000  }
0xa4: {  	[bflag:$0x0] =	sbarrier.arrive $0xFFFF  }
0xa5: {  	_ =	strace $0x90000047  }
0xa6: {  	s0 =	stileid.u32;
	[bflag:$0x2] =	sbarrier.arrive $0xFFFF  }
0xa7: {  	p0 =	sne.s32 s0, $0x0;
	s0 =	rddreg [dreg:$0x4]  }
0xa8: {  	s0 =	sadd.s32 @!p0 $0x100000, s0  }
0xa9: {  	[sflag:s0] =	ssyncadd.tile.s32 @!p0 $0x1;
	_ =	shalt  }
.Lfunc_end2:
_tile_overlayer_lowered:
.L_overlay_start_2:
0xaa: {  	(tag) =	ssettag $0x2  }
0xab: {  	s0 =	rddreg [dreg:$0x0];
	s2 =	stileid.u32  }
0xac: {  	s1 =	rddreg [dreg:$0x1];
	p0 =	sne.s32 s2, $0x0  }
0xad: {  	s3 =	rddreg [dreg:$0x2];
	[bflag:$0x3] =	sbarrier.arrive $0xFFFF;
	s2 =	simm.s32 @!p0 $0x1C03  }
0xae: {  	[timem:s3], [sflag:s2] =	dma.local @!p0 [hbm:s0], s1  }
0xaf: {  	s0 =	simm.s32 @!p0 $0x3  }
0xb0: {  	_ =	swait.ge @!p0 [sflag:s0], s1  }
0xb1: {  	s1 =	ssub.s32 @!p0 $0x0, s1;
	[sflag:s0] =	ssyncset.done @!p0 $0x0  }
0xb2: {  	[sflag:s0] =	ssyncadd.s32 @!p0 s1  }
0xb3: {  	[bflag:$0x3] =	sbarrier.arrive $0xFFFF  }
0xb4: {  	_ =	shalt  }

// kernel: kernel.15.cloned.1.call-start
scs
__scs_entry_jumppad:
0x0: {  	(pc) =	sbr.rel $0x88, $3  }
0x1: {  	(tag) =	ssettag $0x0;
	lr =	simm.s32 $0x1  }
0x2: {  	[smem:$0x3F99] =	sst lr;
	_ =	strace $0xD0000000  }
0x3: {  	_ = 	snop  }
0x4: {  	_ = 	snop  }
0x5: {  	_ = 	snop  }
0x6: {  	_ = 	snop  }
0x7: {  	_ = 	snop  }
__scs_overlays_trampoline_lowered:
0x8: {  	[smem:$0x3FA8] =	sst s0  }
0x9: {  	[smem:$0x3FA9] =	sst s1  }
0xa: {  	[smem:$0x3FAA] =	sst s2  }
0xb: {  	[smem:$0x3FAB] =	sst s3  }
0xc: {  	[smem:$0x3FAC] =	sst s4  }
0xd: {  	[smem:$0x3FAD] =	sst s5  }
0xe: {  	[smem:$0x3FAE] =	sst s6  }
0xf: {  	[smem:$0x3FAF] =	sst s7  }
0x10: {  	[smem:$0x3FB0] =	sst s8  }
0x11: {  	[smem:$0x3FB1] =	sst s9;
	s0 =	simm.s32 @!p0 $0x0  }
0x12: {  	s1 =	sld [smem:$0x3F97];
	s0 =	simm.s32 @p0 $0x1  }
0x13: {  	[smem:$0x3FB2] =	sst s0;
	s0 =	simm.s32 @!p1 $0x0  }
0x14: {  	s2 =	sld [smem:$0x3F96];
	s0 =	simm.s32 @p1 $0x1  }
0x15: {  	[smem:$0x3FB3] =	sst s0;
	s0 =	simm.s32 @!p2 $0x0  }
0x16: {  	s3 =	sld [smem:$0x3FDB];
	s0 =	simm.s32 @p2 $0x1  }
0x17: {  	s4 =	simm.s32 $0x1BF5;
	[smem:$0x3FB5] =	sst s0  }
0x18: {  	s0 =	sld [smem:$0x3F98];
	_ =	swait.ge [sflag:s4], $0x0  }
0x19: {  	s7 =	sld [smem:$0x3F99]  }
0x1a: {  	s8 =	sadd.s32 $0xFFFFE003, lr  }
0x1b: {  	s9 =	sadd.s32 $0xFFFFFEF7, lr;
	s5 =	simm.s32 $0xFFFFFFFF;
	p2 =	slt.u32 s8, $0xFFFFF086  }
0x1c: {  	p1 =	slt.u32 s9, $0xF7A;
	s5 =	simm.s32 @!p2 $0x0  }
0x1d: {  	s5 =	simm.s32 @p1 $0x1;
	p0 =	seq.s32 s7, s2  }
0x1e: {  	s7 =	smul.u32 @!p0 $0xF7A, s2;
	p2 =	seq.s32 @!p0 s5, $0x0  }
0x1f: {  	s9 =	smul.u32 $0xF7A, s1;
	s8 =	simm.s32 @!p0 $0x1BF5;
	p2 =	por !p2, p0  }
0x20: {  	[sflag:s8] =	ssyncset.s32 @!p0 $0xFFFFF086;
	s6 =	sadd.s32 @!p0 s3, s7;
	s7 =	simm.s32 @!p0 $0x108  }
0x21: {  	s3 =	sadd.s32 s3, s9;
	s6 =	sadd.s32 @!p0 $0x88, s6;
	s7 =	simm.s32 @p2 $0x1082  }
0x22: {  	[simem:s7], [sflag:s8] =	dma.local @!p0 [hbm:s6], $0xF7A  }
0x23: {  	s9 =	sor.u32 $0xD0000000, s2;
	s6 =	simm.s32 $0x108;
	_ =	swait.ge @!p0 [sflag:s8], $0x0  }
0x24: {  	s3 =	sadd.s32 $0x88, s3;
	s6 =	simm.s32 @!p1 $0x1082;
	[sflag:s4] =	ssyncset.s32 $0xFFFFF086  }
0x25: {  	[simem:s6], [sflag:s4] =	dma.local [hbm:s3], $0xF7A  }
0x26: {  	[smem:$0x3F99] =	sst s1;
	(tag) =	ssettag s2;
	_ =	strace s9  }
0x27: {  	s1 =	sld [smem:$0x3FA9]  }
0x28: {  	s2 =	sld [smem:$0x3FAA]  }
0x29: {  	s4 =	sld [smem:$0x3FAC]  }
0x2a: {  	p0 =	seq.s32 s5, $0x0;
	s5 =	sld [smem:$0x3FAD]  }
0x2b: {  	s6 =	sld [smem:$0x3FAE]  }
0x2c: {  	s7 =	sld [smem:$0x3FAF]  }
0x2d: {  	s3 =	simm.s32 $0x108;
	s8 =	sld [smem:$0x3FB0]  }
0x2e: {  	s3 =	simm.s32 @!p0 $0x1082;
	s9 =	sld [smem:$0x3FB1]  }
0x2f: {  	lr =	sadd.s32 s0, s3;
	s0 =	sld [smem:$0x3FA8]  }
0x30: {  	s3 =	sld [smem:$0x3FAB]  }
0x31: {  	[smem:$0x3FB4] =	sst s10  }
0x32: {  	s10 =	sld [smem:$0x3FB2];
	_ =	sdelay $0x3  }
0x33: {  	p0 =	seq.s32 s10, $0x1;
	s10 =	sld [smem:$0x3FB4];
	_ =	sdelay $0x3  }
0x34: {  	[smem:$0x3FB4] =	sst s10  }
0x35: {  	s10 =	sld [smem:$0x3FB3];
	_ =	sdelay $0x3  }
0x36: {  	p1 =	seq.s32 s10, $0x1;
	s10 =	sld [smem:$0x3FB4];
	_ =	sdelay $0x3  }
0x37: {  	[smem:$0x3FB4] =	sst s10  }
0x38: {  	s10 =	sld [smem:$0x3FB5]  }
0x39: {  	_ = 	snop;
	(pc) =	sbr.ind lr, $3  }
0x3a: {  	_ = 	snop  }
0x3b: {  	_ = 	snop  }
0x3c: {  	p2 =	seq.s32 s10, $0x1;
	s10 =	sld [smem:$0x3FB4]  }
0x3d: {  	_ =	shalt  }
0x3e: {  	_ =	shalt  }
0x3f: {  	_ =	shalt  }
0x40: {  	_ =	shalt  }
0x41: {  	_ =	shalt  }
0x42: {  	_ =	shalt  }
0x43: {  	_ =	shalt  }
0x44: {  	_ =	shalt  }
0x45: {  	_ =	shalt  }
0x46: {  	_ =	shalt  }
0x47: {  	_ =	shalt  }
0x48: {  	_ =	shalt  }
0x49: {  	_ =	shalt  }
0x4a: {  	_ =	shalt  }
0x4b: {  	_ =	shalt  }
0x4c: {  	_ =	shalt  }
0x4d: {  	_ =	shalt  }
0x4e: {  	_ =	shalt  }
0x4f: {  	_ =	shalt  }
0x50: {  	_ =	shalt  }
0x51: {  	_ =	shalt  }
0x52: {  	_ =	shalt  }
0x53: {  	_ =	shalt  }
0x54: {  	_ =	shalt  }
0x55: {  	_ =	shalt  }
0x56: {  	_ =	shalt  }
0x57: {  	_ =	shalt  }
0x58: {  	_ =	shalt  }
0x59: {  	_ =	shalt  }
0x5a: {  	_ =	shalt  }
0x5b: {  	_ =	shalt  }
0x5c: {  	_ =	shalt  }
0x5d: {  	_ =	shalt  }
0x5e: {  	_ =	shalt  }
0x5f: {  	_ =	shalt  }
0x60: {  	_ =	shalt  }
0x61: {  	_ =	shalt  }
0x62: {  	_ =	shalt  }
0x63: {  	_ =	shalt  }
0x64: {  	_ =	shalt  }
0x65: {  	_ =	shalt  }
0x66: {  	_ =	shalt  }
0x67: {  	_ =	shalt  }
0x68: {  	_ =	shalt  }
0x69: {  	_ =	shalt  }
0x6a: {  	_ =	shalt  }
0x6b: {  	_ =	shalt  }
0x6c: {  	_ =	shalt  }
0x6d: {  	_ =	shalt  }
0x6e: {  	_ =	shalt  }
0x6f: {  	_ =	shalt  }
0x70: {  	_ =	shalt  }
0x71: {  	_ =	shalt  }
0x72: {  	_ =	shalt  }
0x73: {  	_ =	shalt  }
0x74: {  	_ =	shalt  }
0x75: {  	_ =	shalt  }
0x76: {  	_ =	shalt  }
0x77: {  	_ =	shalt  }
0x78: {  	_ =	shalt  }
0x79: {  	_ =	shalt  }
0x7a: {  	_ =	shalt  }
0x7b: {  	_ =	shalt  }
0x7c: {  	_ =	shalt  }
0x7d: {  	_ =	shalt  }
0x7e: {  	_ =	shalt  }
0x7f: {  	_ =	shalt  }
0x80: {  	_ =	shalt  }
0x81: {  	_ =	shalt  }
0x82: {  	_ =	shalt  }
0x83: {  	_ =	shalt  }
0x84: {  	_ =	shalt  }
0x85: {  	_ =	shalt  }
0x86: {  	_ =	shalt  }
0x87: {  	_ =	shalt  }
.Lfunc_end0:
.L_simem_size_0:
called_computation.2_lowered:
.L_overlay_start_0:
0x88: {  	s2 =	sld [smem:$0x3FD9]  }
0x89: {  	s3 =	sld [smem:$0x3FFE];
	_ =	sdelay $0x1  }
0x8a: {  	s1 =	srdreg.scid  }
0x8b: {  	s0 =	sand.u32 $0x1, s1  }
0x8c: {  	s17 =	sshll.u32 s0, $0xA;
	s2 =	sadd.s32 s3, s2  }
0x8d: {  	s2 =	sadd.s32 s2, s17  }
0x8e: {  	[smem:$0x3FC0] =	sst s2  }
0x8f: {  	_ = 	snop  }
0x90: {  	s2 =	sld [smem:$0x3FD0];
	(tm) =	ssettm $0x1  }
0x91: {  	s18 =	sld [smem:$0x3FFB];
	_ =	sdelay $0x3  }
0x92: {  	_ =	strace s18  }
0x93: {  	s3 =	sld [smem:$0x3FFC];
	_ =	sdelay $0x3  }
0x94: {  	_ =	strace s3  }
0x95: {  	s3 =	sld [smem:$0x3FFD];
	_ =	sdelay $0x3  }
0x96: {  	_ =	strace s3  }
0x97: {  	_ =	strace $0x8FFFFFFF  }
0x98: {  	s19 =	sld [smem:$0x3FDB];
	_ =	sdelay $0x1  }
0x99: {  	s4 =	simm.s32 $_scs_section_size  }
0x9a: {  	s5 =	simm.s32 $_size__tile_overlayer_lowered;
	s6 =	simm.s32 $_tile_overlayer_lowered  }
0x9b: {  	s22 =	simm.s32 $0x1BFF;
	s21 =	sshll.u32 s6, $0x1;
	s3 =	sadd.s32 s4, s19  }
0x9c: {  	s7 =	simm.s32 $0x0;
	s20 =	sshll.u32 s5, $0x1;
	s5 =	sadd.s32 s21, s3  }
0x9d: {  	[timem:s7], [sflag:s22] =	dma.local [hbm:s5], s20  }
0x9e: {  	_ =	swait.ge [sflag:s22], s20  }
0x9f: {  	s4 =	ssub.s32 $0x0, s20;
	[sflag:s22] =	ssyncset.done $0x0  }
0xa0: {  	[sflag:s22] =	ssyncadd.s32 s4;
	_ =	sdelay $0x1  }
0xa1: {  	s23 =	simm.s32 $0x1B8B  }
0xa2: {  	_ =	swait.ge [sflag:s23], $0x1  }
0xa3: {  	[sflag:s23] =	ssyncset.done $0x0  }
0xa4: {  	s25 =	simm.s32 $0x1B8E;
	s24 =	sld [smem:$0x3FFE];
	[sflag:s23] =	ssyncadd.s32 $0xFFFFFFFF  }
0xa5: {  	s26 =	simm.s32 $execute0_lowered;
	[smem:$0x3FD2] =	sst s25  }
0xa6: {  	s5 =	sshll.u32 s26, $0x1;
	_ =	strace $0x8000004C;
	[dreg:$0x1] =	wrdreg $0xFFFFFFFF  }
0xa7: {  	s28 =	simm.s32 $_size_execute0_lowered;
	s3 =	sadd.s32 s3, s5;
	[dreg:$0x0] =	wrdreg $0x0  }
0xa8: {  	s5 =	sshll.u32 s28, $0x1;
	[dreg:$0x2] =	wrdreg s3  }
0xa9: {  	[dreg:$0x3] =	wrdreg s5  }
0xaa: {  	[dreg:$0x4] =	wrdreg $0xC0  }
0xab: {  	_ =	task [dreg:s7], $0x5FFFF  }
0xac: {  	[dreg:$0x1] =	wrdreg $0xFFFFFFFF  }
0xad: {  	[dreg:$0x0] =	wrdreg $0x60  }
0xae: {  	[dreg:$0x2] =	wrdreg s2  }
0xaf: {  	[dreg:$0x3] =	wrdreg s24  }
0xb0: {  	[dreg:$0x4] =	wrdreg $0xC0000  }
0xb1: {  	[dreg:$0x5] =	wrdreg $0x160000  }
0xb2: {  	[dreg:$0x6] =	wrdreg $0x9  }
0xb3: {  	_ =	task.clear_ibuf [dreg:s7], $0x7FFFF;
	_ =	strace $0x9000004C  }
0xb4: {  	s29 =	simm.s32 $0x9;
	_ =	strace $0x8000004E  }
0xb5: {  	_ =	swait.ge [sflag:s29], $0x1  }
0xb6: {  	[sflag:s29] =	ssyncadd.s32 $0xFFFFFFFF  }
0xb7: {  	_ =	strace $0x9000004E  }
0xb8: {  	_ =	sfence  }
0xb9: {  	s30 =	sld [smem:$0x0];
	_ =	sdelay $0x2  }
0xba: {  	s31 =	sshll.u32 s1, $0xD;
	s1 =	sshrl.u32 s1, $0x2  }
0xbb: {  	s3 =	sand.u32 $0x4000, s31;
	s1 =	sadd.s32 s1, s30  }
0xbc: {  	s0 =	sor.u32 s3, s0;
	s1 =	sshll.u32 s1, $0x11  }
0xbd: {  	s0 =	sor.u32 s1, s0  }
0xbe: {  	s0 =	sadd.s32 $0x8F2B, s0  }
0xbf: {  	[sflag:s0] =	ssyncadd.remote.s32 $0x1  }
0xc0: {  	_ =	sfence.sel $0xFFFF  }
0xc1: {  	[dreg:$0x0] =	wrdreg $0xFFFFFFFF;
	(pc) =	sbr.abs _section_cstart, $3  }
0xc2: {  	[dreg:$0x1] =	wrdreg $0xFFFFFFFF  }
0xc3: {  	_ =	task.clear_ibuf [dreg:s7], $0x2FFFF;
	_ =	strace $0x9FFFFFFF  }
0xc4: {  	(tm) =	ssettm $0x7FFFFFFF  }
0xc5: {  	_ =	shalt  }
tec
execute0_lowered:
.L_overlay_start_1:
0x0: {  	(tag) =	ssettag $0x1  }
0x1: {  	s0 =	rddreg [dreg:$0x0]  }
0x2: {  	s1 =	rddreg [dreg:$0x1]  }
0x3: {  	s2 =	rddreg [dreg:$0x2];
	s21 =	stileid.u32  }
0x4: {  	s4 =	srdreg.scid;
	s11 =	smul.u32 $0xA000, s21  }
0x5: {  	s3 =	rddreg [dreg:$0x3];
	s7 =	smul.u32 $0xA00, s21  }
0x6: {  	s22 =	simm.s32 $0x3;
	s31 =	simm.s32 $0x40;
	s23 =	smul.u32 $0x28000, s21  }
0x7: {  	s6 =	sand.u32 $0x1, s4;
	s4 =	simm.s32 $0x0;
	s8 =	smul.u32 $0x13800, s21  }
0x8: {  	s12 =	smul.u32 $0x27000, s21;
	p0 =	sne.s32 s21, $0xF;
	s21 =	simm.s32 $0xA000  }
0x9: {  	s5 =	smul.u32 $0xA0000, s6;
	[smem:$0x7FF] =	sst s4;
	s24 =	ssub.s32 $0x2, s6  }
0xa: {  	s25 =	sshll.u32 s6, $0x6;
	s6 =	sshll.u32 s6, $0x3;
	_ =	strace $0x8000004D  }
0xb: {  	s9 =	sadd.s32 s7, s1;
	s10 =	sshrl.u32 s24, $0x1;
	s7 =	sshrl.u32 s23, $0x2  }
0xc: {  	s26 =	sshrl.u32 s12, $0x2;
	s28 =	sadd.s32 s6, s0;
	s30 =	sadd.s32 s11, s2  }
0xd: {  	s5 =	sadd.s32 s11, s5;
	s13 =	ssub.s32 s24, s10;
	s23 =	sadd.s32 s26, s3  }
0xe: {  	s6 =	sadd.s32 $0x27000, s28;
	s29 =	sadd.s32 $0xBE00, s9;
	s9 =	sadd.s32 $0x1E00, s9  }
0xf: {  	s26 =	simm.s32 $0x1;
	s5 =	sshrl.u32 s5, $0x3;
	[dreg:$0x6] =	wrdreg s6  }
0x10: {  	[dreg:$0x7] =	wrdreg s29;
	s11 =	smax.u32 s13, $0x1;
	s23 =	sshrl.u32 s23, $0x3  }
0x11: {  	s1 =	sadd.s32 s5, s1;
	s5 =	sadd.s32 s7, s2;
	s7 =	sor.u32 s25, s8  }
0x12: {  	s25 =	sshrl.u32 s30, $0x3;
	s7 =	sshrl.u32 s7, $0x3;
	s10 =	sadd.s32 $0x65E00, s1  }
0x13: {  	s12 =	sadd.s32 $0x1000, s5;
	s13 =	sadd.s32 $0x2000, s5;
	s14 =	sadd.s32 $0x3000, s5  }
0x14: {  	s15 =	sadd.s32 $0x4000, s5;
	s16 =	sadd.s32 $0x5000, s5;
	s17 =	sadd.s32 $0x6000, s5  }
0x15: {  	s18 =	sadd.s32 $0x7000, s5;
	s19 =	sadd.s32 $0x8000, s5;
	s0 =	sadd.s32 s0, s7  }
0x16: {  	s20 =	sadd.s32 $0x9000, s5;
	[dreg:$0x5] =	wrdreg s0;
	s0 =	sadd.s32 $0x9C000, s3  }
0x17: {  	v0 =	vimm.f32 $0.0e+00;
	s1 =	simm.s32 $0x2;
	s24 =	sshrl.u32 @!p0 s0, $0x3;
	s0 =	simm.s32 $0xB000  }
.LBB2_1:
0x18: {  	s29 =	simm.s32 $0x100;
	s28 =	simm.s32 $0x0  }
.LBB2_2:
0x19: {  	p1 =	sne.s32 s29, $0x3F00;
	[tilespmem:s28+$0xA030] =	vst v0;
	s30 =	smov.u32 s29;
	s29 =	sadd.s32 $0x100, s29  }
.Ltmp0:
0x1a: {  	[tilespmem:s28+$0xA020] =	vst v0;
	(pc) =	sbr.rel @p1 .LBB2_2-.Ltmp0, $3  }
0x1b: {  	[tilespmem:s28+$0xA000] =	vst v0  }
0x1c: {  	[tilespmem:s28+$0xA010] =	vst v0;
	_ =	sdelay $0x1  }
0x1d: {  	s28 =	sshra.s32 s30, $0x2  }
0x1e: {  	[tilespmem:s28+$0xA030] =	vst v0  }
0x1f: {  	[tilespmem:s28+$0xA020] =	vst v0  }
0x20: {  	[tilespmem:s28+$0xA000] =	vst v0  }
0x21: {  	[tilespmem:s28+$0xA010] =	vst v0  }
0x22: {  	[spmem:s5] =	stream.linear.scatter [tilespmem:s21], [sflag:$0x3], $0x1000, $0x38;
	[tilespmem:$0x1FC40] =	vst v63  }
0x23: {  	_ =	swait.ge [sflag:s22], $0x1000  }
0x24: {  	[sflag:s22] =	ssyncset.done $0x0  }
0x25: {  	[sflag:s22] =	ssyncadd.s32 $0xFFFFF000  }
0x26: {  	[spmem:s12] =	stream.linear.scatter [tilespmem:s21], [sflag:$0x3], $0x1000, $0x38;
	[tilespmem:$0x1FC40] =	vst v63  }
0x27: {  	_ =	swait.ge [sflag:s22], $0x1000  }
0x28: {  	[sflag:s22] =	ssyncset.done $0x0  }
0x29: {  	[sflag:s22] =	ssyncadd.s32 $0xFFFFF000  }
0x2a: {  	[spmem:s13] =	stream.linear.scatter [tilespmem:s21], [sflag:$0x3], $0x1000, $0x38;
	[tilespmem:$0x1FC40] =	vst v63  }
0x2b: {  	_ =	swait.ge [sflag:s22], $0x1000  }
0x2c: {  	[sflag:s22] =	ssyncset.done $0x0  }
0x2d: {  	[sflag:s22] =	ssyncadd.s32 $0xFFFFF000  }
0x2e: {  	[spmem:s14] =	stream.linear.scatter [tilespmem:s21], [sflag:$0x3], $0x1000, $0x38;
	[tilespmem:$0x1FC40] =	vst v63  }
0x2f: {  	_ =	swait.ge [sflag:s22], $0x1000  }
0x30: {  	[sflag:s22] =	ssyncset.done $0x0  }
0x31: {  	[sflag:s22] =	ssyncadd.s32 $0xFFFFF000  }
0x32: {  	[spmem:s15] =	stream.linear.scatter [tilespmem:s21], [sflag:$0x3], $0x1000, $0x38;
	[tilespmem:$0x1FC40] =	vst v63  }
0x33: {  	_ =	swait.ge [sflag:s22], $0x1000  }
0x34: {  	[sflag:s22] =	ssyncset.done $0x0  }
0x35: {  	[sflag:s22] =	ssyncadd.s32 $0xFFFFF000  }
0x36: {  	[spmem:s16] =	stream.linear.scatter [tilespmem:s21], [sflag:$0x3], $0x1000, $0x38;
	[tilespmem:$0x1FC40] =	vst v63  }
0x37: {  	_ =	swait.ge [sflag:s22], $0x1000  }
0x38: {  	[sflag:s22] =	ssyncset.done $0x0  }
0x39: {  	[sflag:s22] =	ssyncadd.s32 $0xFFFFF000  }
0x3a: {  	[spmem:s17] =	stream.linear.scatter [tilespmem:s21], [sflag:$0x3], $0x1000, $0x38;
	[tilespmem:$0x1FC40] =	vst v63  }
0x3b: {  	_ =	swait.ge [sflag:s22], $0x1000  }
0x3c: {  	[sflag:s22] =	ssyncset.done $0x0  }
0x3d: {  	[sflag:s22] =	ssyncadd.s32 $0xFFFFF000  }
0x3e: {  	[spmem:s18] =	stream.linear.scatter [tilespmem:s21], [sflag:$0x3], $0x1000, $0x38;
	[tilespmem:$0x1FC40] =	vst v63  }
0x3f: {  	_ =	swait.ge [sflag:s22], $0x1000  }
0x40: {  	[sflag:s22] =	ssyncset.done $0x0  }
0x41: {  	[sflag:s22] =	ssyncadd.s32 $0xFFFFF000  }
0x42: {  	[spmem:s19] =	stream.linear.scatter [tilespmem:s21], [sflag:$0x3], $0x1000, $0x38;
	[tilespmem:$0x1FC40] =	vst v63  }
0x43: {  	_ =	swait.ge [sflag:s22], $0x1000  }
0x44: {  	[sflag:s22] =	ssyncset.done $0x0  }
0x45: {  	[sflag:s22] =	ssyncadd.s32 $0xFFFFF000  }
0x46: {  	[spmem:s20] =	stream.linear.scatter [tilespmem:s21], [sflag:$0x3], $0x1000, $0x38;
	[tilespmem:$0x1FC40] =	vst v63  }
0x47: {  	s6 =	stileid.u32;
	s7 =	simm.s32 $0x8;
	_ =	swait.ge [sflag:s22], $0x1000  }
0x48: {  	s8 =	simm.s32 $0x10;
	s28 =	sshll.u32 s6, $0x6;
	[sflag:s22] =	ssyncset.done $0x0  }
0x49: {  	s28 =	sor.u32 $0x1C03, s28;
	s6 =	rddreg [dreg:$0x5];
	[sflag:s22] =	ssyncadd.s32 $0xFFFFF000  }
0x4a: {  	[spmem:s23@s7], [sflag:s28] =	dma.strided [hbm:s6@s8], $0x1380, s26, $0x8   }
0x4b: {  	_ =	swait.ge [sflag:s22], $0x1380  }
0x4c: {  	s29 =	simm.s32 @!p0 $0x1;
	s30 =	simm.s32 @!p0 $0x8;
	[sflag:s22] =	ssyncset.done $0x0  }
0x4d: {  	s6 =	simm.s32 @!p0 $0x10;
	s7 =	rddreg [dreg:$0x6];
	[sflag:s22] =	ssyncadd.s32 $0xFFFFEC80  }
0x4e: {  	[spmem:s24@s30], [sflag:s28] =	dma.strided @!p0 [hbm:s7@s6], $0x80, s29, $0x8   }
0x4f: {  	s6 =	simm.s32 @!p0 $0x3  }
0x50: {  	_ =	swait.ge @!p0 [sflag:s6], $0x80  }
0x51: {  	[sflag:s6] =	ssyncset.done @!p0 $0x0  }
0x52: {  	s8 =	rddreg [dreg:$0x7];
	[sflag:s6] =	ssyncadd.s32 @!p0 $0xFFFFFF80;
	s6 =	simm.s32 $0x0  }
0x53: {  	[tilespmem:s6], [sflag:$0x3] =	stream.linear.gather [hbm4b:s8+s6], $0x5000, $0x38;
	[tilespmem:$0x1FC40] =	vst v63  }
0x54: {  	_ =	swait.ge [sflag:s22], $0x5000  }
0x55: {  	[sflag:s22] =	ssyncset.done $0x0  }
0x56: {  	s8 =	simm.s32 $0x5000;
	[sflag:s22] =	ssyncadd.s32 $0xFFFFB000  }
0x57: {  	[tilespmem:s8], [sflag:$0x3] =	stream.linear.gather [hbm4b:s9+s6], $0x5000, $0x38;
	[tilespmem:$0x1FC40] =	vst v63  }
0x58: {  	_ =	swait.ge [sflag:s22], $0x5000  }
0x59: {  	[sflag:s22] =	ssyncset.done $0x0  }
0x5a: {  	[sflag:s22] =	ssyncadd.s32 $0xFFFFB000  }
0x5b: {  	[bflag:$0x0] =	sbarrier.arrive $0xFFFF  }
0x5c: {  	[tilespmem:s21], [sflag:$0x1] =	stream.indirect.gather [spmem:s3], $0x40, s6, s31, $0xb8;
	[tilespmem:$0x1FC40] =	vst v63  }
0x5d: {  	s7 =	simm.s32 $0x40  }
0x5e: {  	[tilespmem:s0], [sflag:$0x2] =	stream.indirect.gather [spmem:s3], $0x40, s7, s31, $0xb8;
	[tilespmem:$0x1FC40] =	vst v63  }
0x5f: {  	_ =	swait.ge [sflag:s26], $0x1000  }
0x60: {  	[sflag:s26] =	ssyncset.done $0x0  }
0x61: {  	s8 =	simm.s32 $0x5000;
	[sflag:s26] =	ssyncadd.s32 $0xFFFFF000  }
0x62: {  	[spmem:s2] =	stream.indirect.scatter.add.f32 [tilespmem:s21], [sflag:$0x3], $0x40, s8, s31, $0xb8;
	[tilespmem:$0x1FC40] =	vst v63  }
0x63: {  	_ =	swait.ge [sflag:s22], $0x1000  }
0x64: {  	[sflag:s22] =	ssyncset.done $0x0  }
0x65: {  	s7 =	simm.s32 $0x80;
	[sflag:s22] =	ssyncadd.s32 $0xFFFFF000  }
0x66: {  	[tilespmem:s21], [sflag:$0x1] =	stream.indirect.gather [spmem:s3], $0x40, s7, s31, $0xb8;
	[tilespmem:$0x1FC40] =	vst v63  }
0x67: {  	_ =	swait.ge [sflag:s1], $0x1000  }
0x68: {  	[sflag:s1] =	ssyncset.done $0x0  }
0x69: {  	s8 =	simm.s32 $0x5040;
	[sflag:s1] =	ssyncadd.s32 $0xFFFFF000  }
0x6a: {  	[spmem:s2] =	stream.indirect.scatter.add.f32 [tilespmem:s0], [sflag:$0x3], $0x40, s8, s31, $0xb8;
	[tilespmem:$0x1FC40] =	vst v63  }
0x6b: {  	_ =	swait.ge [sflag:s22], $0x1000  }
0x6c: {  	s30 =	simm.s32 $0x400;
	s29 =	simm.s32 $0x80;
	[sflag:s22] =	ssyncset.done $0x0  }
.LBB2_4:
0x6d: {  	s6 =	sadd.s32 $0x40, s29  }
0x6e: {  	[sflag:s22] =	ssyncadd.s32 $0xFFFFF000;
	s7 =	smov.u32 s30;
	s8 =	sadd.s32 $0x200, s30  }
0x6f: {  	[tilespmem:s0], [sflag:$0x2] =	stream.indirect.gather [spmem:s3], $0x40, s6, s31, $0xb8;
	[tilespmem:$0x1FC40] =	vst v63  }
0x70: {  	p1 =	sne.s32 s30, $0x13C00;
	_ =	swait.ge [sflag:s26], $0x1000  }
0x71: {  	[sflag:s26] =	ssyncset.done $0x0  }
0x72: {  	s6 =	sadd.s32 $0x5000, s29;
	[sflag:s26] =	ssyncadd.s32 $0xFFFFF000  }
0x73: {  	[spmem:s2] =	stream.indirect.scatter.add.f32 [tilespmem:s21], [sflag:$0x3], $0x40, s6, s31, $0xb8;
	[tilespmem:$0x1FC40] =	vst v63  }
0x74: {  	_ =	swait.ge [sflag:s22], $0x1000  }
0x75: {  	[sflag:s22] =	ssyncset.done $0x0  }
0x76: {  	s6 =	sadd.s32 $0x80, s29;
	[sflag:s22] =	ssyncadd.s32 $0xFFFFF000  }
0x77: {  	[tilespmem:s21], [sflag:$0x1] =	stream.indirect.gather [spmem:s3], $0x40, s6, s31, $0xb8;
	[tilespmem:$0x1FC40] =	vst v63  }
0x78: {  	_ =	swait.ge [sflag:s1], $0x1000  }
.Ltmp1:
0x79: {  	[sflag:s1] =	ssyncset.done $0x0;
	(pc) =	sbr.rel @p1 .LBB2_4-.Ltmp1, $4  }
0x7a: {  	s6 =	sadd.s32 $0x5040, s29;
	[sflag:s1] =	ssyncadd.s32 $0xFFFFF000  }
0x7b: {  	[spmem:s2] =	stream.indirect.scatter.add.f32 [tilespmem:s0], [sflag:$0x3], $0x40, s6, s31, $0xb8;
	[tilespmem:$0x1FC40] =	vst v63  }
0x7c: {  	_ =	swait.ge [sflag:s22], $0x1000  }
0x7d: {  	s30 =	smov.u32 s8;
	s29 =	sshra.s32 s7, $0x2;
	[sflag:s22] =	ssyncset.done $0x0  }
0x7e: {  	s6 =	sadd.s32 $0x40, s29;
	[sflag:s22] =	ssyncadd.s32 $0xFFFFF000  }
0x7f: {  	[tilespmem:s0], [sflag:$0x2] =	stream.indirect.gather [spmem:s3], $0x40, s6, s31, $0xb8;
	[tilespmem:$0x1FC40] =	vst v63  }
0x80: {  	_ =	swait.ge [sflag:s26], $0x1000  }
0x81: {  	[sflag:s26] =	ssyncset.done $0x0  }
0x82: {  	s8 =	sadd.s32 $0x5000, s29;
	[sflag:s26] =	ssyncadd.s32 $0xFFFFF000  }
0x83: {  	[spmem:s2] =	stream.indirect.scatter.add.f32 [tilespmem:s21], [sflag:$0x3], $0x40, s8, s31, $0xb8;
	[tilespmem:$0x1FC40] =	vst v63  }
0x84: {  	_ =	swait.ge [sflag:s22], $0x1000  }
0x85: {  	[sflag:s22] =	ssyncset.done $0x0  }
0x86: {  	s30 =	sadd.s32 $0x80, s29;
	[sflag:s22] =	ssyncadd.s32 $0xFFFFF000  }
0x87: {  	[tilespmem:s21], [sflag:$0x1] =	stream.indirect.gather [spmem:s3], $0x40, s30, s31, $0xb8;
	[tilespmem:$0x1FC40] =	vst v63  }
0x88: {  	_ =	swait.ge [sflag:s1], $0x1000  }
0x89: {  	[sflag:s1] =	ssyncset.done $0x0  }
0x8a: {  	s7 =	sadd.s32 $0x5040, s29;
	[sflag:s1] =	ssyncadd.s32 $0xFFFFF000  }
0x8b: {  	[spmem:s2] =	stream.indirect.scatter.add.f32 [tilespmem:s0], [sflag:$0x3], $0x40, s7, s31, $0xb8;
	[tilespmem:$0x1FC40] =	vst v63  }
0x8c: {  	_ =	swait.ge [sflag:s22], $0x1000  }
0x8d: {  	[sflag:s22] =	ssyncset.done $0x0  }
0x8e: {  	s8 =	simm.s32 $0x4FC0;
	[sflag:s22] =	ssyncadd.s32 $0xFFFFF000  }
0x8f: {  	[tilespmem:s0], [sflag:$0x2] =	stream.indirect.gather [spmem:s3], $0x40, s8, s31, $0xb8;
	[tilespmem:$0x1FC40] =	vst v63  }
0x90: {  	_ =	swait.ge [sflag:s26], $0x1000  }
0x91: {  	[sflag:s26] =	ssyncset.done $0x0  }
0x92: {  	s29 =	simm.s32 $0x9F80;
	[sflag:s26] =	ssyncadd.s32 $0xFFFFF000  }
0x93: {  	[spmem:s2] =	stream.indirect.scatter.add.f32 [tilespmem:s21], [sflag:$0x3], $0x40, s29, s31, $0xb8;
	[tilespmem:$0x1FC40] =	vst v63  }
0x94: {  	_ =	swait.ge [sflag:s22], $0x1000  }
0x95: {  	[sflag:s22] =	ssyncset.done $0x0  }
0x96: {  	[sflag:s22] =	ssyncadd.s32 $0xFFFFF000  }
0x97: {  	_ =	swait.ge [sflag:s1], $0x1000  }
0x98: {  	[sflag:s1] =	ssyncset.done $0x0  }
0x99: {  	s30 =	simm.s32 $0x9FC0;
	[sflag:s1] =	ssyncadd.s32 $0xFFFFF000  }
0x9a: {  	[spmem:s2] =	stream.indirect.scatter.add.f32 [tilespmem:s0], [sflag:$0x3], $0x40, s30, s31, $0xb8;
	[tilespmem:$0x1FC40] =	vst v63  }
0x9b: {  	_ =	swait.ge [sflag:s22], $0x1000  }
0x9c: {  	s4 =	sadd.s32 $0x1, s4;
	[sflag:s22] =	ssyncset.done $0x0  }
0x9d: {  	p1 =	sne.s32 s4, s11;
	[sflag:s22] =	ssyncadd.s32 $0xFFFFF000  }
.Ltmp2:
0x9e: {  	[bflag:$0x0] =	sbarrier.arrive $0xFFFF;
	(pc) =	sbr.rel @p1 .LBB2_1-.Ltmp2, $4  }
0x9f: {  	[hbm:s10], [sflag:s28] =	dma.local [spmem:s25], $0x1400  }
0xa0: {  	_ =	swait.ge [sflag:s22], $0x1400  }
0xa1: {  	[sflag:s22] =	ssyncset.done $0x0  }
0xa2: {  	[sflag:s22] =	ssyncadd.s32 $0xFFFFEC00  }
0xa3: {  	_ =	sfence.sel $0x180000  }
0xa4: {  	[bflag:$0x0] =	sbarrier.arrive $0xFFFF  }
0xa5: {  	_ =	strace $0x9000004D  }
0xa6: {  	s0 =	stileid.u32;
	[bflag:$0x2] =	sbarrier.arrive $0xFFFF  }
0xa7: {  	p0 =	sne.s32 s0, $0x0;
	s0 =	rddreg [dreg:$0x4]  }
0xa8: {  	s0 =	sadd.s32 @!p0 $0x100000, s0  }
0xa9: {  	[sflag:s0] =	ssyncadd.tile.s32 @!p0 $0x1;
	_ =	shalt  }
.Lfunc_end2:
_tile_overlayer_lowered:
.L_overlay_start_2:
0xaa: {  	(tag) =	ssettag $0x2  }
0xab: {  	s0 =	rddreg [dreg:$0x0];
	s2 =	stileid.u32  }
0xac: {  	s1 =	rddreg [dreg:$0x1];
	p0 =	sne.s32 s2, $0x0  }
0xad: {  	s3 =	rddreg [dreg:$0x2];
	[bflag:$0x3] =	sbarrier.arrive $0xFFFF;
	s2 =	simm.s32 @!p0 $0x1C03  }
0xae: {  	[timem:s3], [sflag:s2] =	dma.local @!p0 [hbm:s0], s1  }
0xaf: {  	s0 =	simm.s32 @!p0 $0x3  }
0xb0: {  	_ =	swait.ge @!p0 [sflag:s0], s1  }
0xb1: {  	s1 =	ssub.s32 @!p0 $0x0, s1;
	[sflag:s0] =	ssyncset.done @!p0 $0x0  }
0xb2: {  	[sflag:s0] =	ssyncadd.s32 @!p0 s1  }
0xb3: {  	[bflag:$0x3] =	sbarrier.arrive $0xFFFF  }
0xb4: {  	_ =	shalt  }

// kernel: kernel.9.cloned.1.call-start
scs
__scs_entry_jumppad:
0x0: {  	(pc) =	sbr.rel $0x88, $3  }
0x1: {  	(tag) =	ssettag $0x0;
	lr =	simm.s32 $0x1  }
0x2: {  	[smem:$0x3F99] =	sst lr;
	_ =	strace $0xD0000000  }
0x3: {  	_ = 	snop  }
0x4: {  	_ = 	snop  }
0x5: {  	_ = 	snop  }
0x6: {  	_ = 	snop  }
0x7: {  	_ = 	snop  }
__scs_overlays_trampoline_lowered:
0x8: {  	[smem:$0x3FA8] =	sst s0  }
0x9: {  	[smem:$0x3FA9] =	sst s1  }
0xa: {  	[smem:$0x3FAA] =	sst s2  }
0xb: {  	[smem:$0x3FAB] =	sst s3  }
0xc: {  	[smem:$0x3FAC] =	sst s4  }
0xd: {  	[smem:$0x3FAD] =	sst s5  }
0xe: {  	[smem:$0x3FAE] =	sst s6  }
0xf: {  	[smem:$0x3FAF] =	sst s7  }
0x10: {  	[smem:$0x3FB0] =	sst s8  }
0x11: {  	[smem:$0x3FB1] =	sst s9;
	s0 =	simm.s32 @!p0 $0x0  }
0x12: {  	s1 =	sld [smem:$0x3F97];
	s0 =	simm.s32 @p0 $0x1  }
0x13: {  	[smem:$0x3FB2] =	sst s0;
	s0 =	simm.s32 @!p1 $0x0  }
0x14: {  	s2 =	sld [smem:$0x3F96];
	s0 =	simm.s32 @p1 $0x1  }
0x15: {  	[smem:$0x3FB3] =	sst s0;
	s0 =	simm.s32 @!p2 $0x0  }
0x16: {  	s3 =	sld [smem:$0x3FDB];
	s0 =	simm.s32 @p2 $0x1  }
0x17: {  	s4 =	simm.s32 $0x1BF5;
	[smem:$0x3FB5] =	sst s0  }
0x18: {  	s0 =	sld [smem:$0x3F98];
	_ =	swait.ge [sflag:s4], $0x0  }
0x19: {  	s7 =	sld [smem:$0x3F99]  }
0x1a: {  	s8 =	sadd.s32 $0xFFFFE003, lr  }
0x1b: {  	s9 =	sadd.s32 $0xFFFFFEF7, lr;
	s5 =	simm.s32 $0xFFFFFFFF;
	p2 =	slt.u32 s8, $0xFFFFF086  }
0x1c: {  	p1 =	slt.u32 s9, $0xF7A;
	s5 =	simm.s32 @!p2 $0x0  }
0x1d: {  	s5 =	simm.s32 @p1 $0x1;
	p0 =	seq.s32 s7, s2  }
0x1e: {  	s7 =	smul.u32 @!p0 $0xF7A, s2;
	p2 =	seq.s32 @!p0 s5, $0x0  }
0x1f: {  	s9 =	smul.u32 $0xF7A, s1;
	s8 =	simm.s32 @!p0 $0x1BF5;
	p2 =	por !p2, p0  }
0x20: {  	[sflag:s8] =	ssyncset.s32 @!p0 $0xFFFFF086;
	s6 =	sadd.s32 @!p0 s3, s7;
	s7 =	simm.s32 @!p0 $0x108  }
0x21: {  	s3 =	sadd.s32 s3, s9;
	s6 =	sadd.s32 @!p0 $0x88, s6;
	s7 =	simm.s32 @p2 $0x1082  }
0x22: {  	[simem:s7], [sflag:s8] =	dma.local @!p0 [hbm:s6], $0xF7A  }
0x23: {  	s9 =	sor.u32 $0xD0000000, s2;
	s6 =	simm.s32 $0x108;
	_ =	swait.ge @!p0 [sflag:s8], $0x0  }
0x24: {  	s3 =	sadd.s32 $0x88, s3;
	s6 =	simm.s32 @!p1 $0x1082;
	[sflag:s4] =	ssyncset.s32 $0xFFFFF086  }
0x25: {  	[simem:s6], [sflag:s4] =	dma.local [hbm:s3], $0xF7A  }
0x26: {  	[smem:$0x3F99] =	sst s1;
	(tag) =	ssettag s2;
	_ =	strace s9  }
0x27: {  	s1 =	sld [smem:$0x3FA9]  }
0x28: {  	s2 =	sld [smem:$0x3FAA]  }
0x29: {  	s4 =	sld [smem:$0x3FAC]  }
0x2a: {  	p0 =	seq.s32 s5, $0x0;
	s5 =	sld [smem:$0x3FAD]  }
0x2b: {  	s6 =	sld [smem:$0x3FAE]  }
0x2c: {  	s7 =	sld [smem:$0x3FAF]  }
0x2d: {  	s3 =	simm.s32 $0x108;
	s8 =	sld [smem:$0x3FB0]  }
0x2e: {  	s3 =	simm.s32 @!p0 $0x1082;
	s9 =	sld [smem:$0x3FB1]  }
0x2f: {  	lr =	sadd.s32 s0, s3;
	s0 =	sld [smem:$0x3FA8]  }
0x30: {  	s3 =	sld [smem:$0x3FAB]  }
0x31: {  	[smem:$0x3FB4] =	sst s10  }
0x32: {  	s10 =	sld [smem:$0x3FB2];
	_ =	sdelay $0x3  }
0x33: {  	p0 =	seq.s32 s10, $0x1;
	s10 =	sld [smem:$0x3FB4];
	_ =	sdelay $0x3  }
0x34: {  	[smem:$0x3FB4] =	sst s10  }
0x35: {  	s10 =	sld [smem:$0x3FB3];
	_ =	sdelay $0x3  }
0x36: {  	p1 =	seq.s32 s10, $0x1;
	s10 =	sld [smem:$0x3FB4];
	_ =	sdelay $0x3  }
0x37: {  	[smem:$0x3FB4] =	sst s10  }
0x38: {  	s10 =	sld [smem:$0x3FB5]  }
0x39: {  	_ = 	snop;
	(pc) =	sbr.ind lr, $3  }
0x3a: {  	_ = 	snop  }
0x3b: {  	_ = 	snop  }
0x3c: {  	p2 =	seq.s32 s10, $0x1;
	s10 =	sld [smem:$0x3FB4]  }
0x3d: {  	_ =	shalt  }
0x3e: {  	_ =	shalt  }
0x3f: {  	_ =	shalt  }
0x40: {  	_ =	shalt  }
0x41: {  	_ =	shalt  }
0x42: {  	_ =	shalt  }
0x43: {  	_ =	shalt  }
0x44: {  	_ =	shalt  }
0x45: {  	_ =	shalt  }
0x46: {  	_ =	shalt  }
0x47: {  	_ =	shalt  }
0x48: {  	_ =	shalt  }
0x49: {  	_ =	shalt  }
0x4a: {  	_ =	shalt  }
0x4b: {  	_ =	shalt  }
0x4c: {  	_ =	shalt  }
0x4d: {  	_ =	shalt  }
0x4e: {  	_ =	shalt  }
0x4f: {  	_ =	shalt  }
0x50: {  	_ =	shalt  }
0x51: {  	_ =	shalt  }
0x52: {  	_ =	shalt  }
0x53: {  	_ =	shalt  }
0x54: {  	_ =	shalt  }
0x55: {  	_ =	shalt  }
0x56: {  	_ =	shalt  }
0x57: {  	_ =	shalt  }
0x58: {  	_ =	shalt  }
0x59: {  	_ =	shalt  }
0x5a: {  	_ =	shalt  }
0x5b: {  	_ =	shalt  }
0x5c: {  	_ =	shalt  }
0x5d: {  	_ =	shalt  }
0x5e: {  	_ =	shalt  }
0x5f: {  	_ =	shalt  }
0x60: {  	_ =	shalt  }
0x61: {  	_ =	shalt  }
0x62: {  	_ =	shalt  }
0x63: {  	_ =	shalt  }
0x64: {  	_ =	shalt  }
0x65: {  	_ =	shalt  }
0x66: {  	_ =	shalt  }
0x67: {  	_ =	shalt  }
0x68: {  	_ =	shalt  }
0x69: {  	_ =	shalt  }
0x6a: {  	_ =	shalt  }
0x6b: {  	_ =	shalt  }
0x6c: {  	_ =	shalt  }
0x6d: {  	_ =	shalt  }
0x6e: {  	_ =	shalt  }
0x6f: {  	_ =	shalt  }
0x70: {  	_ =	shalt  }
0x71: {  	_ =	shalt  }
0x72: {  	_ =	shalt  }
0x73: {  	_ =	shalt  }
0x74: {  	_ =	shalt  }
0x75: {  	_ =	shalt  }
0x76: {  	_ =	shalt  }
0x77: {  	_ =	shalt  }
0x78: {  	_ =	shalt  }
0x79: {  	_ =	shalt  }
0x7a: {  	_ =	shalt  }
0x7b: {  	_ =	shalt  }
0x7c: {  	_ =	shalt  }
0x7d: {  	_ =	shalt  }
0x7e: {  	_ =	shalt  }
0x7f: {  	_ =	shalt  }
0x80: {  	_ =	shalt  }
0x81: {  	_ =	shalt  }
0x82: {  	_ =	shalt  }
0x83: {  	_ =	shalt  }
0x84: {  	_ =	shalt  }
0x85: {  	_ =	shalt  }
0x86: {  	_ =	shalt  }
0x87: {  	_ =	shalt  }
.Lfunc_end0:
.L_simem_size_0:
called_computation_lowered:
.L_overlay_start_0:
0x88: {  	s2 =	sld [smem:$0x3FD9]  }
0x89: {  	s3 =	sld [smem:$0x3FFE];
	_ =	sdelay $0x1  }
0x8a: {  	s1 =	srdreg.scid  }
0x8b: {  	s0 =	sand.u32 $0x1, s1  }
0x8c: {  	s17 =	sshll.u32 s0, $0xA;
	s2 =	sadd.s32 s3, s2  }
0x8d: {  	s2 =	sadd.s32 s2, s17  }
0x8e: {  	[smem:$0x3FC0] =	sst s2  }
0x8f: {  	_ = 	snop  }
0x90: {  	s18 =	sld [smem:$0x3FD0];
	(tm) =	ssettm $0x1  }
0x91: {  	s19 =	sld [smem:$0x3FFB];
	_ =	sdelay $0x3  }
0x92: {  	_ =	strace s19  }
0x93: {  	s2 =	sld [smem:$0x3FFC];
	_ =	sdelay $0x3  }
0x94: {  	_ =	strace s2  }
0x95: {  	s2 =	sld [smem:$0x3FFD];
	_ =	sdelay $0x3  }
0x96: {  	_ =	strace s2  }
0x97: {  	_ =	strace $0x8FFFFFFF  }
0x98: {  	s20 =	sld [smem:$0x3FDB];
	_ =	sdelay $0x1  }
0x99: {  	s4 =	simm.s32 $_scs_section_size  }
0x9a: {  	s5 =	simm.s32 $_size__tile_overlayer_lowered;
	s6 =	simm.s32 $_tile_overlayer_lowered  }
0x9b: {  	s7 =	simm.s32 $0x1BFF;
	s21 =	sshll.u32 s6, $0x1;
	s4 =	sadd.s32 s4, s20  }
0x9c: {  	s22 =	simm.s32 $0x0;
	s5 =	sshll.u32 s5, $0x1;
	s6 =	sadd.s32 s21, s4  }
0x9d: {  	[timem:s22], [sflag:s7] =	dma.local [hbm:s6], s5  }
0x9e: {  	_ =	swait.ge [sflag:s7], s5  }
0x9f: {  	s5 =	ssub.s32 $0x0, s5;
	[sflag:s7] =	ssyncset.done $0x0  }
0xa0: {  	[sflag:s7] =	ssyncadd.s32 s5;
	_ =	sdelay $0x1  }
0xa1: {  	s23 =	simm.s32 $0x1B8B  }
0xa2: {  	_ =	swait.ge [sflag:s23], $0x1  }
0xa3: {  	[sflag:s23] =	ssyncset.done $0x0  }
0xa4: {  	[sflag:s23] =	ssyncadd.s32 $0xFFFFFFFF  }
0xa5: {  	s5 =	sld [smem:$0x0]  }
0xa6: {  	s6 =	sand.u32 $0xFFFFFFFE, s1  }
0xa7: {  	p0 =	sne.s32 s1, s6  }
0xa8: {  	s6 =	sshll.u32 @p0 s6, $0xE  }
0xa9: {  	s6 =	sadd.s32 @p0 $0x11B8D, s6;
	s7 =	sshll.u32 @p0 s5, $0x11  }
0xaa: {  	s6 =	sor.u32 @p0 s7, s6  }
0xab: {  	[sflag:s6] =	ssyncadd.remote.s32 @p0 $0x1;
	_ =	sdelay $0x1  }
0xac: {  	s6 =	simm.s32 @p0 $0x1B8D  }
0xad: {  	_ =	swait.eq @p0 [sflag:s6], $0x1  }
0xae: {  	[sflag:s6] =	ssyncadd.s32 @p0 $0xFFFFFFFF  }
0xaf: {  	s7 =	sshll.u32 @!p0 s1, $0xE  }
0xb0: {  	s7 =	sor.u32 @!p0 $0x4000, s7;
	s6 =	simm.s32 @!p0 $0x1B8D  }
0xb1: {  	s5 =	sshll.u32 @!p0 s5, $0x11;
	s7 =	sadd.s32 @!p0 $0x11B8D, s7;
	_ =	swait.eq @!p0 [sflag:s6], $0x1  }
0xb2: {  	s5 =	sor.u32 @!p0 s5, s7;
	[sflag:s6] =	ssyncadd.s32 @!p0 $0xFFFFFFFF  }
0xb3: {  	s25 =	simm.s32 $0x1B8E;
	s24 =	sld [smem:$0x3FFE];
	[sflag:s5] =	ssyncadd.remote.s32 @!p0 $0x1  }
0xb4: {  	s26 =	simm.s32 $execute0_lowered;
	[smem:$0x3FD2] =	sst s25  }
0xb5: {  	s6 =	sshll.u32 s26, $0x1;
	_ =	strace $0x80000049;
	[dreg:$0x1] =	wrdreg $0xFFFFFFFF  }
0xb6: {  	s28 =	simm.s32 $_size_execute0_lowered;
	s4 =	sadd.s32 s4, s6;
	[dreg:$0x0] =	wrdreg $0x0  }
0xb7: {  	s6 =	sshll.u32 s28, $0x1;
	[dreg:$0x2] =	wrdreg s4  }
0xb8: {  	[dreg:$0x3] =	wrdreg s6  }
0xb9: {  	[dreg:$0x4] =	wrdreg $0xC0  }
0xba: {  	_ =	task [dreg:s22], $0x5FFFF  }
0xbb: {  	[dreg:$0x1] =	wrdreg $0xFFFFFFFF  }
0xbc: {  	[dreg:$0x0] =	wrdreg $0x60  }
0xbd: {  	[dreg:$0x2] =	wrdreg s24  }
0xbe: {  	[dreg:$0x3] =	wrdreg s18  }
0xbf: {  	[dreg:$0x4] =	wrdreg $0x54000  }
0xc0: {  	[dreg:$0x5] =	wrdreg $0x9  }
0xc1: {  	_ =	task.clear_ibuf [dreg:s22], $0x6FFFF;
	_ =	strace $0x90000049  }
0xc2: {  	s29 =	simm.s32 $0x9;
	_ =	strace $0x8000004B  }
0xc3: {  	_ =	swait.ge [sflag:s29], $0x1  }
0xc4: {  	[sflag:s29] =	ssyncadd.s32 $0xFFFFFFFF  }
0xc5: {  	_ =	strace $0x9000004B  }
0xc6: {  	_ =	sfence  }
0xc7: {  	s30 =	sld [smem:$0x0];
	_ =	sdelay $0x2  }
0xc8: {  	s31 =	sshll.u32 s1, $0xD;
	s1 =	sshrl.u32 s1, $0x2  }
0xc9: {  	s4 =	sand.u32 $0x4000, s31;
	s1 =	sadd.s32 s1, s30  }
0xca: {  	s0 =	sor.u32 s4, s0;
	s1 =	sshll.u32 s1, $0x11  }
0xcb: {  	s0 =	sor.u32 s1, s0  }
0xcc: {  	s0 =	sadd.s32 $0x8F2B, s0  }
0xcd: {  	[sflag:s0] =	ssyncadd.remote.s32 $0x1  }
0xce: {  	_ =	sfence.sel $0xFFFF  }
0xcf: {  	[dreg:$0x0] =	wrdreg $0xFFFFFFFF;
	(pc) =	sbr.abs _section_cstart, $3  }
0xd0: {  	[dreg:$0x1] =	wrdreg $0xFFFFFFFF  }
0xd1: {  	_ =	task.clear_ibuf [dreg:s22], $0x2FFFF;
	_ =	strace $0x9FFFFFFF  }
0xd2: {  	(tm) =	ssettm $0x7FFFFFFF  }
0xd3: {  	_ =	shalt  }
tec
execute0_lowered:
.L_overlay_start_1:
0x0: {  	(tag) =	ssettag $0x1  }
0x1: {  	s4 =	rddreg [dreg:$0x0]  }
0x2: {  	s7 =	rddreg [dreg:$0x1]  }
0x3: {  	s0 =	stileid.u32;
	s1 =	srdreg.scid  }
0x4: {  	s2 =	rddreg [dreg:$0x2];
	s3 =	simm.s32 $0x0;
	s18 =	simm.s32 $0x5000  }
0x5: {  	s19 =	simm.s32 $0x2;
	s20 =	simm.s32 $0x40;
	s5 =	smul.u32 $0xA00, s0  }
0x6: {  	s6 =	sand.u32 $0x1, s1;
	s8 =	smul.u32 $0xA000, s0;
	s1 =	rddreg [dreg:$0x3]  }
0x7: {  	s21 =	simm.s32 $0x1;
	[smem:$0x7FF] =	sst s3;
	s10 =	smul.u32 $0x2800, s0  }
0x8: {  	s22 =	sshll.u32 s0, $0x6;
	s9 =	smul.u32 $0x28000, s6;
	_ =	strace $0x8000004A  }
0x9: {  	s30 =	ssub.s32 $0x2, s6;
	s6 =	sshll.u32 s6, $0x6;
	s22 =	sor.u32 $0x1C02, s22  }
0xa: {  	s5 =	sadd.s32 s5, s4;
	s11 =	sshrl.u32 s30, $0x1;
	s8 =	sshrl.u32 s8, $0x2  }
0xb: {  	s23 =	sadd.s32 s10, s2;
	s9 =	sadd.s32 s10, s9;
	s11 =	ssub.s32 s30, s11  }
0xc: {  	s4 =	sadd.s32 s8, s2;
	s5 =	sadd.s32 $0x1E00, s5;
	s23 =	sshrl.u32 s23, $0x3  }
0xd: {  	s31 =	sshrl.u32 s9, $0x3;
	s8 =	smax.u32 s11, $0x1;
	s9 =	sadd.s32 $0x400, s4  }
0xe: {  	s10 =	sadd.s32 $0x800, s4;
	s11 =	sadd.s32 $0xC00, s4;
	s12 =	sadd.s32 $0x1000, s4  }
0xf: {  	s13 =	sadd.s32 $0x1400, s4;
	s14 =	sadd.s32 $0x1800, s4;
	s15 =	sadd.s32 $0x1C00, s4  }
0x10: {  	v0 =	vimm.f32 $0.0e+00;
	v1 =	vimm.f32 $1.000000000e+00;
	s16 =	sadd.s32 $0x2000, s4;
	s17 =	sadd.s32 $0x2400, s4;
	s7 =	sadd.s32 s7, s31  }
.LBB2_1:
0x11: {  	s24 =	simm.s32 $0x40;
	s25 =	simm.s32 $0x0  }
.LBB2_2:
0x12: {  	p0 =	sne.s32 s24, $0xFC0;
	[tilespmem:s25+$0x5000] =	vst v0;
	s25 =	smov.u32 s24;
	s24 =	sadd.s32 $0x40, s24  }
.Ltmp0:
0x13: {  	(pc) =	sbr.rel @p0 .LBB2_2-.Ltmp0, $2  }
0x14: {  	_ =	sdelay $0x2  }
0x15: {  	s25 =	sshra.s32 s25, $0x2  }
0x16: {  	[tilespmem:s25+$0x5000] =	vst v0  }
0x17: {  	[spmem:s4] =	stream.linear.scatter [tilespmem:s18], [sflag:$0x2], $0x400, $0x38;
	[tilespmem:$0x7C00] =	vst v63  }
0x18: {  	_ =	swait.ge [sflag:s19], $0x400  }
0x19: {  	[sflag:s19] =	ssyncset.done $0x0  }
0x1a: {  	[sflag:s19] =	ssyncadd.s32 $0xFFFFFC00  }
0x1b: {  	[spmem:s9] =	stream.linear.scatter [tilespmem:s18], [sflag:$0x2], $0x400, $0x38;
	[tilespmem:$0x7C00] =	vst v63  }
0x1c: {  	_ =	swait.ge [sflag:s19], $0x400  }
0x1d: {  	[sflag:s19] =	ssyncset.done $0x0  }
0x1e: {  	[sflag:s19] =	ssyncadd.s32 $0xFFFFFC00  }
0x1f: {  	[spmem:s10] =	stream.linear.scatter [tilespmem:s18], [sflag:$0x2], $0x400, $0x38;
	[tilespmem:$0x7C00] =	vst v63  }
0x20: {  	_ =	swait.ge [sflag:s19], $0x400  }
0x21: {  	[sflag:s19] =	ssyncset.done $0x0  }
0x22: {  	[sflag:s19] =	ssyncadd.s32 $0xFFFFFC00  }
0x23: {  	[spmem:s11] =	stream.linear.scatter [tilespmem:s18], [sflag:$0x2], $0x400, $0x38;
	[tilespmem:$0x7C00] =	vst v63  }
0x24: {  	_ =	swait.ge [sflag:s19], $0x400  }
0x25: {  	[sflag:s19] =	ssyncset.done $0x0  }
0x26: {  	[sflag:s19] =	ssyncadd.s32 $0xFFFFFC00  }
0x27: {  	[spmem:s12] =	stream.linear.scatter [tilespmem:s18], [sflag:$0x2], $0x400, $0x38;
	[tilespmem:$0x7C00] =	vst v63  }
0x28: {  	_ =	swait.ge [sflag:s19], $0x400  }
0x29: {  	[sflag:s19] =	ssyncset.done $0x0  }
0x2a: {  	[sflag:s19] =	ssyncadd.s32 $0xFFFFFC00  }
0x2b: {  	[spmem:s13] =	stream.linear.scatter [tilespmem:s18], [sflag:$0x2], $0x400, $0x38;
	[tilespmem:$0x7C00] =	vst v63  }
0x2c: {  	_ =	swait.ge [sflag:s19], $0x400  }
0x2d: {  	[sflag:s19] =	ssyncset.done $0x0  }
0x2e: {  	[sflag:s19] =	ssyncadd.s32 $0xFFFFFC00  }
0x2f: {  	[spmem:s14] =	stream.linear.scatter [tilespmem:s18], [sflag:$0x2], $0x400, $0x38;
	[tilespmem:$0x7C00] =	vst v63  }
0x30: {  	_ =	swait.ge [sflag:s19], $0x400  }
0x31: {  	[sflag:s19] =	ssyncset.done $0x0  }
0x32: {  	[sflag:s19] =	ssyncadd.s32 $0xFFFFFC00  }
0x33: {  	[spmem:s15] =	stream.linear.scatter [tilespmem:s18], [sflag:$0x2], $0x400, $0x38;
	[tilespmem:$0x7C00] =	vst v63  }
0x34: {  	_ =	swait.ge [sflag:s19], $0x400  }
0x35: {  	[sflag:s19] =	ssyncset.done $0x0  }
0x36: {  	[sflag:s19] =	ssyncadd.s32 $0xFFFFFC00  }
0x37: {  	[spmem:s16] =	stream.linear.scatter [tilespmem:s18], [sflag:$0x2], $0x400, $0x38;
	[tilespmem:$0x7C00] =	vst v63  }
0x38: {  	_ =	swait.ge [sflag:s19], $0x400  }
0x39: {  	[sflag:s19] =	ssyncset.done $0x0  }
0x3a: {  	[sflag:s19] =	ssyncadd.s32 $0xFFFFFC00  }
0x3b: {  	[spmem:s17] =	stream.linear.scatter [tilespmem:s18], [sflag:$0x2], $0x400, $0x38;
	[tilespmem:$0x7C00] =	vst v63  }
0x3c: {  	_ =	swait.ge [sflag:s19], $0x400  }
0x3d: {  	[sflag:s19] =	ssyncset.done $0x0  }
0x3e: {  	s24 =	simm.s32 $0x40;
	s25 =	simm.s32 $0x0;
	[sflag:s19] =	ssyncadd.s32 $0xFFFFFC00  }
.LBB2_4:
0x3f: {  	p0 =	sne.s32 s24, $0xFC0;
	[tilespmem:s25+$0x5000] =	vst v1;
	s25 =	smov.u32 s24;
	s24 =	sadd.s32 $0x40, s24  }
.Ltmp1:
0x40: {  	(pc) =	sbr.rel @p0 .LBB2_4-.Ltmp1, $2  }
0x41: {  	_ =	sdelay $0x2  }
0x42: {  	s25 =	sshra.s32 s25, $0x2  }
0x43: {  	[tilespmem:s25+$0x5000] =	vst v1;
	s24 =	simm.s32 $0x0  }
0x44: {  	[tilespmem:s24], [sflag:$0x2] =	stream.linear.gather [hbm4b:s5+s24], $0x5000, $0x38;
	[tilespmem:$0x7C00] =	vst v63  }
0x45: {  	_ =	swait.ge [sflag:s19], $0x5000  }
0x46: {  	[sflag:s19] =	ssyncset.done $0x0  }
0x47: {  	p0 =	por $0x1, $0x1;
	[sflag:s19] =	ssyncadd.s32 $0xFFFFB000  }
0x48: {  	s26 =	simm.s32 @!p0 $0x1;
	[bflag:$0x0] =	sbarrier.arrive $0xFFFF  }
0x49: {  	[spmem:s2] =	stream.indirect.scatter.add.f32 [tilespmem:s18], [sflag:$0x1], $0x10, s6, s20, $0xb8;
	[tilespmem:$0x7C00] =	vst v63  }
0x4a: {  	_ =	swait.ge @!p0 [sflag:s26], $0x400  }
0x4b: {  	s25 =	smov.u32 s6;
	s24 =	simm.s32 $0x1;
	[sflag:s26] =	ssyncset.done @!p0 $0x0  }
.LBB2_6:
0x4c: {  	[sflag:s26] =	ssyncadd.s32 @!p0 $0xFFFFFC00  }
0x4d: {  	s25 =	sadd.s32 $0x80, s25;
	s26 =	smov.u32 s24;
	s24 =	sadd.s32 $0x1, s24  }
0x4e: {  	p1 =	sne.s32 s24, $0xA0  }
0x4f: {  	[spmem:s2] =	stream.indirect.scatter.add.f32 [tilespmem:s18], [sflag:$0x1], $0x10, s25, s20, $0xb8;
	[tilespmem:$0x7C00] =	vst v63  }
.Ltmp2:
0x50: {  	_ = 	snop;
	(pc) =	sbr.rel @p1 .LBB2_6-.Ltmp2, $4  }
0x51: {  	p0 =	slt.u32 s26, $0x8  }
0x52: {  	s26 =	simm.s32 @!p0 $0x1  }
0x53: {  	_ =	swait.ge @!p0 [sflag:s26], $0x400  }
0x54: {  	[sflag:s26] =	ssyncset.done @!p0 $0x0  }
0x55: {  	[sflag:s26] =	ssyncadd.s32 @!p0 $0xFFFFFC00  }
0x56: {  	_ =	swait.ge [sflag:s21], $0x400  }
0x57: {  	[sflag:s21] =	ssyncset.done $0x0  }
0x58: {  	[sflag:s21] =	ssyncadd.s32 $0xFFFFFC00  }
0x59: {  	_ =	swait.ge [sflag:s21], $0x400  }
0x5a: {  	[sflag:s21] =	ssyncset.done $0x0  }
0x5b: {  	[sflag:s21] =	ssyncadd.s32 $0xFFFFFC00  }
0x5c: {  	_ =	swait.ge [sflag:s21], $0x400  }
0x5d: {  	[sflag:s21] =	ssyncset.done $0x0  }
0x5e: {  	[sflag:s21] =	ssyncadd.s32 $0xFFFFFC00  }
0x5f: {  	_ =	swait.ge [sflag:s21], $0x400  }
0x60: {  	[sflag:s21] =	ssyncset.done $0x0  }
0x61: {  	[sflag:s21] =	ssyncadd.s32 $0xFFFFFC00  }
0x62: {  	_ =	swait.ge [sflag:s21], $0x400  }
0x63: {  	[sflag:s21] =	ssyncset.done $0x0  }
0x64: {  	[sflag:s21] =	ssyncadd.s32 $0xFFFFFC00  }
0x65: {  	_ =	swait.ge [sflag:s21], $0x400  }
0x66: {  	[sflag:s21] =	ssyncset.done $0x0  }
0x67: {  	[sflag:s21] =	ssyncadd.s32 $0xFFFFFC00  }
0x68: {  	_ =	swait.ge [sflag:s21], $0x400  }
0x69: {  	[sflag:s21] =	ssyncset.done $0x0  }
0x6a: {  	[sflag:s21] =	ssyncadd.s32 $0xFFFFFC00  }
0x6b: {  	_ =	swait.ge [sflag:s21], $0x400  }
0x6c: {  	s3 =	sadd.s32 $0x1, s3;
	[sflag:s21] =	ssyncset.done $0x0  }
0x6d: {  	p0 =	sne.s32 s3, s8;
	[sflag:s21] =	ssyncadd.s32 $0xFFFFFC00  }
.Ltmp3:
0x6e: {  	[bflag:$0x0] =	sbarrier.arrive $0xFFFF;
	(pc) =	sbr.rel @p0 .LBB2_1-.Ltmp3, $4  }
0x6f: {  	[hbm:s7], [sflag:s22] =	dma.local [spmem:s23], $0x500  }
0x70: {  	_ =	swait.ge [sflag:s19], $0x500  }
0x71: {  	[sflag:s19] =	ssyncset.done $0x0  }
0x72: {  	[sflag:s19] =	ssyncadd.s32 $0xFFFFFB00  }
0x73: {  	_ =	sfence.sel $0x180000  }
0x74: {  	[bflag:$0x0] =	sbarrier.arrive $0xFFFF  }
0x75: {  	p0 =	sne.s32 s0, $0x0;
	_ =	strace $0x9000004A  }
0x76: {  	s0 =	sadd.s32 @!p0 $0x100000, s1;
	[bflag:$0x2] =	sbarrier.arrive $0xFFFF  }
0x77: {  	[sflag:s0] =	ssyncadd.tile.s32 @!p0 $0x1;
	_ =	shalt  }
.Lfunc_end2:
_tile_overlayer_lowered:
.L_overlay_start_2:
0x78: {  	(tag) =	ssettag $0x2  }
0x79: {  	s0 =	rddreg [dreg:$0x0];
	s2 =	stileid.u32  }
0x7a: {  	s1 =	rddreg [dreg:$0x1];
	p0 =	sne.s32 s2, $0x0  }
0x7b: {  	s3 =	rddreg [dreg:$0x2];
	[bflag:$0x3] =	sbarrier.arrive $0xFFFF;
	s2 =	simm.s32 @!p0 $0x1C02  }
0x7c: {  	[timem:s3], [sflag:s2] =	dma.local @!p0 [hbm:s0], s1  }
0x7d: {  	s0 =	simm.s32 @!p0 $0x2  }
0x7e: {  	_ =	swait.ge @!p0 [sflag:s0], s1  }
0x7f: {  	s1 =	ssub.s32 @!p0 $0x0, s1;
	[sflag:s0] =	ssyncset.done @!p0 $0x0  }
0x80: {  	[sflag:s0] =	ssyncadd.s32 @!p0 s1  }
0x81: {  	[bflag:$0x3] =	sbarrier.arrive $0xFFFF  }
0x82: {  	_ =	shalt  }

</sc_bundles>
